<compile_context>
chip_gen: v7x
topology: tpu7x:2x2x1
jax: 0.10.2.dev20260603
libtpu: 0.0.44.dev20260713+nightly
codegen_flags: <defaults>
</compile_context>

<pallas_src>
import functools

import jax
import jax.numpy as jnp
from jax import lax
from jax.experimental import pallas as pl
from jax.experimental.pallas import tpu as pltpu
from jax.experimental.pallas import tpu_sc as plsc

MAXLEN = 200
EMBED_DIM = 32
BATCH = 4096

NC, NS = 2, 16
NW = NC * NS
TOTAL_ROWS = BATCH * MAXLEN
ROWS_PER_W = TOTAL_ROWS // NW
CHUNK = 128
CHUNKS_PER_W = ROWS_PER_W // CHUNK
POS_PAD = MAXLEN + CHUNK
NBUF = 4


@functools.partial(
    pl.kernel,
    out_type=jax.ShapeDtypeStruct((TOTAL_ROWS, EMBED_DIM), jnp.float32),
    mesh=plsc.VectorSubcoreMesh(core_axis_name="c", subcore_axis_name="s"),
    compiler_params=pltpu.CompilerParams(use_tc_tiling_on_sc=False),
    scratch_types=[
        pltpu.VMEM((CHUNKS_PER_W, CHUNK), jnp.int32),
        pltpu.VMEM((POS_PAD, EMBED_DIM), jnp.float32),
        pltpu.VMEM((NBUF, CHUNK, EMBED_DIM), jnp.float32),
        pltpu.VMEM((NBUF, CHUNK, EMBED_DIM), jnp.float32),
        pltpu.SemaphoreType.DMA((NBUF,)),
        pltpu.SemaphoreType.DMA((NBUF,)),
    ],
)
def _emb(x_hbm, table_hbm, pos_hbm, out_hbm, idx_v, pos_v, gbuf, wbuf, gsem, wsem):
    wid = lax.axis_index("s") * NC + lax.axis_index("c")
    pltpu.sync_copy(x_hbm.at[pl.ds(wid * CHUNKS_PER_W, CHUNKS_PER_W)], idx_v)
    pltpu.sync_copy(pos_hbm, pos_v)
    out_base = wid * ROWS_PER_W

    def start_gather(c, b):
        pltpu.make_async_copy(
            table_hbm.at[idx_v.at[c]], gbuf.at[b], gsem.at[b]
        ).start()

    for b in range(NBUF):
        start_gather(b, b)

    def group(g, _):
        for b in range(NBUF):
            c = g * NBUF + b
            pltpu.make_async_copy(
                table_hbm.at[idx_v.at[c]], gbuf.at[b], gsem.at[b]
            ).wait()

            @pl.when(g > 0)
            def _():
                pltpu.make_async_copy(
                    wbuf.at[b], out_hbm.at[pl.ds(out_base, CHUNK)], wsem.at[b]
                ).wait()

            o = lax.rem(c * CHUNK, MAXLEN)

            def add_row(r, _):
                m = o + r
                wbuf[b, r, pl.ds(0, 16)] = (
                    gbuf[b, r, pl.ds(0, 16)] + pos_v[m, pl.ds(0, 16)]
                )
                wbuf[b, r, pl.ds(16, 16)] = (
                    gbuf[b, r, pl.ds(16, 16)] + pos_v[m, pl.ds(16, 16)]
                )
                return 0

            lax.fori_loop(0, CHUNK, add_row, 0, unroll=4)

            pltpu.make_async_copy(
                wbuf.at[b], out_hbm.at[pl.ds(out_base + c * CHUNK, CHUNK)], wsem.at[b]
            ).start()

            @pl.when(c + NBUF < CHUNKS_PER_W)
            def _():
                start_gather(c + NBUF, b)

        return 0

    lax.fori_loop(0, CHUNKS_PER_W // NBUF, group, 0)

    for b in range(NBUF):
        pltpu.make_async_copy(
            wbuf.at[b], out_hbm.at[pl.ds(out_base, CHUNK)], wsem.at[b]
        ).wait()


def kernel(x, token_table, pos_table):
    x_flat = x.reshape(-1).astype(jnp.int32)
    x2d = x_flat.reshape(NW * CHUNKS_PER_W, CHUNK)
    pos_ext = jnp.concatenate([pos_table, pos_table[: POS_PAD - MAXLEN]], axis=0)
    out = _emb(x2d, token_table, pos_ext)
    return out.reshape(BATCH, MAXLEN, EMBED_DIM)

# --- scband reference (transcript-rebuilt; emitter-appended) ---
"""Pipeline reference for scband-token-and-position-embedding-33139967656427 (READ-ONLY COPY).

The authoritative reference and input builder live on the scoring server;
editing this copy changes nothing except your own understanding.
"""

import jax, jax.numpy as jnp
import numpy as np

MAXLEN = 200
VOCAB_SIZE = 1000000
EMBED_DIM = 32
BATCH = 4096

def setup_inputs(seed: int = 0) -> dict:
    key = jax.random.key(seed)
    k1, k2, k3 = jax.random.split(key, 3)
    x = jax.random.randint(k1, (BATCH, MAXLEN), 0, VOCAB_SIZE, dtype=jnp.int64 if jax.config.jax_enable_x64 else jnp.int32)
    token_table = jax.random.normal(k2, (VOCAB_SIZE, EMBED_DIM), dtype=jnp.float32) * 0.05
    pos_table = jax.random.normal(k3, (MAXLEN, EMBED_DIM), dtype=jnp.float32) * 0.05
    return {"x": x, "token_table": token_table, "pos_table": pos_table}

def reference(x, token_table, pos_table):
    # maxlen = x.shape[-1]; positions = range(maxlen)
    maxlen = x.shape[-1]
    positions = jnp.arange(maxlen)
    pos_emb = jnp.take(pos_table, positions, axis=0)          # [maxlen, embed_dim]
    tok_emb = jnp.take(token_table, x, axis=0)                # [batch, maxlen, embed_dim]
    return tok_emb + pos_emb[None, :, :]

if __name__ == "__main__":
    import jax
    _d = setup_inputs()
    print(jax.jit(kernel)(*tuple(_d.values())))

</pallas_src>

<mosaic_0001>
#map = affine_map<(d0, d1) -> (0, 0)>
module attributes {stable_mosaic.version = 14 : i64} {
  func.func @_emb(%arg0: i32, %arg1: i32, %arg2: memref<6400x128xi32, #tpu.memory_space<hbm>>, %arg3: memref<1000000x32xf32, #tpu.memory_space<hbm>>, %arg4: memref<328x32xf32, #tpu.memory_space<hbm>>, %arg5: memref<819200x32xf32, #tpu.memory_space<hbm>>, %arg6: memref<200x128xi32, #tpu.memory_space<vmem>>, %arg7: memref<328x32xf32, #tpu.memory_space<vmem>>, %arg8: memref<4x128x32xf32, #tpu.memory_space<vmem>>, %arg9: memref<4x128x32xf32, #tpu.memory_space<vmem>>, %arg10: memref<4x!tpu.dma_semaphore, #tpu.memory_space<semaphore_mem>>, %arg11: memref<4x!tpu.dma_semaphore, #tpu.memory_space<semaphore_mem>>) attributes {dimension_semantics = [#tpu.dimension_semantics<core_parallel>, #tpu.dimension_semantics<subcore_parallel>], iteration_bounds = array<i64: 2, 16>, scalar_prefetch = 0 : i64, scratch_operands = 6 : i64, tpu.core_type = #tpu.core_type<sc_vector_subcore>, window_params = [{transform_indices = #map}, {transform_indices = #map}, {transform_indices = #map}, {transform_indices = #map}]} {
    %mul3A = arith.constant 2 : i32
    %mul3A_0 = arith.muli %arg1, %mul3A : i32
    %add3A = arith.addi %mul3A_0, %arg0 : i32
    %mul3A_1 = arith.constant 200 : i32
    %mul3A_2 = arith.muli %add3A, %mul3A_1 : i32
    "tpu.region"() ({
      %run_scoped3A = tpu.sem_alloc : memref<!tpu.dma_semaphore, #tpu.memory_space<semaphore_mem>>
      %dma_start3A_133 = arith.constant 0 : i32
      %dma_start3A_134 = tpu.memref_slice %arg2[%mul3A_2, %dma_start3A_133] : memref<6400x128xi32, #tpu.memory_space<hbm>> -> memref<200x128xi32, #tpu.memory_space<hbm>>
      %dma_start3A_135 = arith.constant 0 : i32
      %dma_start3A_136 = tpu.memref_slice %arg2[%mul3A_2, %dma_start3A_135] : memref<6400x128xi32, #tpu.memory_space<hbm>> -> memref<200x128xi32, #tpu.memory_space<hbm>>
      tpu.enqueue_dma source(%dma_start3A_136 : memref<200x128xi32, #tpu.memory_space<hbm>>) target(%arg6 : memref<200x128xi32, #tpu.memory_space<vmem>>) target_semaphore(%run_scoped3A : memref<!tpu.dma_semaphore, #tpu.memory_space<semaphore_mem>>)
      %dma_wait3A_137 = arith.constant 0 : i32
      %dma_wait3A_138 = tpu.memref_slice %arg2[%mul3A_2, %dma_wait3A_137] : memref<6400x128xi32, #tpu.memory_space<hbm>> -> memref<200x128xi32, #tpu.memory_space<hbm>>
      %dma_wait3A_139 = arith.constant 0 : i32
      %dma_wait3A_140 = tpu.memref_slice %arg2[%mul3A_2, %dma_wait3A_139] : memref<6400x128xi32, #tpu.memory_space<hbm>> -> memref<200x128xi32, #tpu.memory_space<hbm>>
      tpu.wait_dma2 semaphore(%run_scoped3A : memref<!tpu.dma_semaphore, #tpu.memory_space<semaphore_mem>>) src(%dma_wait3A_140 : memref<200x128xi32, #tpu.memory_space<hbm>>) dst(%arg6 : memref<200x128xi32, #tpu.memory_space<vmem>>)
      tpu.yield
    }) : () -> ()
    "tpu.region"() ({
      %run_scoped3A = tpu.sem_alloc : memref<!tpu.dma_semaphore, #tpu.memory_space<semaphore_mem>>
      tpu.enqueue_dma source(%arg4 : memref<328x32xf32, #tpu.memory_space<hbm>>) target(%arg7 : memref<328x32xf32, #tpu.memory_space<vmem>>) target_semaphore(%run_scoped3A : memref<!tpu.dma_semaphore, #tpu.memory_space<semaphore_mem>>)
      tpu.wait_dma2 semaphore(%run_scoped3A : memref<!tpu.dma_semaphore, #tpu.memory_space<semaphore_mem>>) src(%arg4 : memref<328x32xf32, #tpu.memory_space<hbm>>) dst(%arg7 : memref<328x32xf32, #tpu.memory_space<vmem>>)
      tpu.yield
    }) : () -> ()
    %mul3A_3 = arith.constant 25600 : i32
    %mul3A_4 = arith.muli %add3A, %mul3A_3 : i32
    %dma_start3A = arith.constant 0 : i32
    %dma_start3A_5 = arith.constant 0 : i32
    %dma_start3A_6 = arith.constant 0 : i32
    %dma_start3A_7 = arith.constant 0 : i32
    %dma_start3A_8 = arith.constant 0 : i32
    %dma_start3A_9 = tpu.memref_slice %arg8[%dma_start3A_5, %dma_start3A_7, %dma_start3A_8] : memref<4x128x32xf32, #tpu.memory_space<vmem>> -> memref<1x128x32xf32, #tpu.memory_space<vmem>>
    %dma_start3A_10 = tpu.memref_squeeze %dma_start3A_9 : memref<1x128x32xf32, #tpu.memory_space<vmem>> -> memref<128x32xf32, #tpu.memory_space<vmem>>
    %dma_start3A_11 = arith.constant 0 : i32
    %dma_start3A_12 = tpu.memref_slice %arg6[%dma_start3A, %dma_start3A_11] : memref<200x128xi32, #tpu.memory_space<vmem>> -> memref<1x128xi32, #tpu.memory_space<vmem>>
    %dma_start3A_13 = tpu.memref_squeeze %dma_start3A_12 : memref<1x128xi32, #tpu.memory_space<vmem>> -> memref<128xi32, #tpu.memory_space<vmem>>
    %dma_start3A_14 = arith.constant 0 : i32
    %dma_start3A_15 = arith.constant 0 : i32
    %dma_start3A_16 = tpu.memref_slice %arg3[%dma_start3A_14, %dma_start3A_15] : memref<1000000x32xf32, #tpu.memory_space<hbm>> -> memref<1000000x32xf32, #tpu.memory_space<hbm>>
    %dma_start3A_17 = tpu.memref_slice %arg10[%dma_start3A_6] : memref<4x!tpu.dma_semaphore, #tpu.memory_space<semaphore_mem>> -> memref<1x!tpu.dma_semaphore, #tpu.memory_space<semaphore_mem>>
    %dma_start3A_18 = tpu.memref_squeeze %dma_start3A_17 : memref<1x!tpu.dma_semaphore, #tpu.memory_space<semaphore_mem>> -> memref<!tpu.dma_semaphore, #tpu.memory_space<semaphore_mem>>
    tpu.enqueue_indirect_dma source(%dma_start3A_16 : memref<1000000x32xf32, #tpu.memory_space<hbm>>) target(%dma_start3A_10 : memref<128x32xf32, #tpu.memory_space<vmem>>) offsets(%dma_start3A_13 : memref<128xi32, #tpu.memory_space<vmem>>) semaphore(%dma_start3A_18 : memref<!tpu.dma_semaphore, #tpu.memory_space<semaphore_mem>>)
    %dma_start3A_19 = arith.constant 1 : i32
    %dma_start3A_20 = arith.constant 1 : i32
    %dma_start3A_21 = arith.constant 1 : i32
    %dma_start3A_22 = arith.constant 0 : i32
    %dma_start3A_23 = arith.constant 0 : i32
    %dma_start3A_24 = tpu.memref_slice %arg8[%dma_start3A_20, %dma_start3A_22, %dma_start3A_23] : memref<4x128x32xf32, #tpu.memory_space<vmem>> -> memref<1x128x32xf32, #tpu.memory_space<vmem>>
    %dma_start3A_25 = tpu.memref_squeeze %dma_start3A_24 : memref<1x128x32xf32, #tpu.memory_space<vmem>> -> memref<128x32xf32, #tpu.memory_space<vmem>>
    %dma_start3A_26 = arith.constant 0 : i32
    %dma_start3A_27 = tpu.memref_slice %arg6[%dma_start3A_19, %dma_start3A_26] : memref<200x128xi32, #tpu.memory_space<vmem>> -> memref<1x128xi32, #tpu.memory_space<vmem>>
    %dma_start3A_28 = tpu.memref_squeeze %dma_start3A_27 : memref<1x128xi32, #tpu.memory_space<vmem>> -> memref<128xi32, #tpu.memory_space<vmem>>
    %dma_start3A_29 = arith.constant 0 : i32
    %dma_start3A_30 = arith.constant 0 : i32
    %dma_start3A_31 = tpu.memref_slice %arg3[%dma_start3A_29, %dma_start3A_30] : memref<1000000x32xf32, #tpu.memory_space<hbm>> -> memref<1000000x32xf32, #tpu.memory_space<hbm>>
    %dma_start3A_32 = tpu.memref_slice %arg10[%dma_start3A_21] : memref<4x!tpu.dma_semaphore, #tpu.memory_space<semaphore_mem>> -> memref<1x!tpu.dma_semaphore, #tpu.memory_space<semaphore_mem>>
    %dma_start3A_33 = tpu.memref_squeeze %dma_start3A_32 : memref<1x!tpu.dma_semaphore, #tpu.memory_space<semaphore_mem>> -> memref<!tpu.dma_semaphore, #tpu.memory_space<semaphore_mem>>
    tpu.enqueue_indirect_dma source(%dma_start3A_31 : memref<1000000x32xf32, #tpu.memory_space<hbm>>) target(%dma_start3A_25 : memref<128x32xf32, #tpu.memory_space<vmem>>) offsets(%dma_start3A_28 : memref<128xi32, #tpu.memory_space<vmem>>) semaphore(%dma_start3A_33 : memref<!tpu.dma_semaphore, #tpu.memory_space<semaphore_mem>>)
    %dma_start3A_34 = arith.constant 2 : i32
    %dma_start3A_35 = arith.constant 2 : i32
    %dma_start3A_36 = arith.constant 2 : i32
    %dma_start3A_37 = arith.constant 0 : i32
    %dma_start3A_38 = arith.constant 0 : i32
    %dma_start3A_39 = tpu.memref_slice %arg8[%dma_start3A_35, %dma_start3A_37, %dma_start3A_38] : memref<4x128x32xf32, #tpu.memory_space<vmem>> -> memref<1x128x32xf32, #tpu.memory_space<vmem>>
    %dma_start3A_40 = tpu.memref_squeeze %dma_start3A_39 : memref<1x128x32xf32, #tpu.memory_space<vmem>> -> memref<128x32xf32, #tpu.memory_space<vmem>>
    %dma_start3A_41 = arith.constant 0 : i32
    %dma_start3A_42 = tpu.memref_slice %arg6[%dma_start3A_34, %dma_start3A_41] : memref<200x128xi32, #tpu.memory_space<vmem>> -> memref<1x128xi32, #tpu.memory_space<vmem>>
    %dma_start3A_43 = tpu.memref_squeeze %dma_start3A_42 : memref<1x128xi32, #tpu.memory_space<vmem>> -> memref<128xi32, #tpu.memory_space<vmem>>
    %dma_start3A_44 = arith.constant 0 : i32
    %dma_start3A_45 = arith.constant 0 : i32
    %dma_start3A_46 = tpu.memref_slice %arg3[%dma_start3A_44, %dma_start3A_45] : memref<1000000x32xf32, #tpu.memory_space<hbm>> -> memref<1000000x32xf32, #tpu.memory_space<hbm>>
    %dma_start3A_47 = tpu.memref_slice %arg10[%dma_start3A_36] : memref<4x!tpu.dma_semaphore, #tpu.memory_space<semaphore_mem>> -> memref<1x!tpu.dma_semaphore, #tpu.memory_space<semaphore_mem>>
    %dma_start3A_48 = tpu.memref_squeeze %dma_start3A_47 : memref<1x!tpu.dma_semaphore, #tpu.memory_space<semaphore_mem>> -> memref<!tpu.dma_semaphore, #tpu.memory_space<semaphore_mem>>
    tpu.enqueue_indirect_dma source(%dma_start3A_46 : memref<1000000x32xf32, #tpu.memory_space<hbm>>) target(%dma_start3A_40 : memref<128x32xf32, #tpu.memory_space<vmem>>) offsets(%dma_start3A_43 : memref<128xi32, #tpu.memory_space<vmem>>) semaphore(%dma_start3A_48 : memref<!tpu.dma_semaphore, #tpu.memory_space<semaphore_mem>>)
    %dma_start3A_49 = arith.constant 3 : i32
    %dma_start3A_50 = arith.constant 3 : i32
    %dma_start3A_51 = arith.constant 3 : i32
    %dma_start3A_52 = arith.constant 0 : i32
    %dma_start3A_53 = arith.constant 0 : i32
    %dma_start3A_54 = tpu.memref_slice %arg8[%dma_start3A_50, %dma_start3A_52, %dma_start3A_53] : memref<4x128x32xf32, #tpu.memory_space<vmem>> -> memref<1x128x32xf32, #tpu.memory_space<vmem>>
    %dma_start3A_55 = tpu.memref_squeeze %dma_start3A_54 : memref<1x128x32xf32, #tpu.memory_space<vmem>> -> memref<128x32xf32, #tpu.memory_space<vmem>>
    %dma_start3A_56 = arith.constant 0 : i32
    %dma_start3A_57 = tpu.memref_slice %arg6[%dma_start3A_49, %dma_start3A_56] : memref<200x128xi32, #tpu.memory_space<vmem>> -> memref<1x128xi32, #tpu.memory_space<vmem>>
    %dma_start3A_58 = tpu.memref_squeeze %dma_start3A_57 : memref<1x128xi32, #tpu.memory_space<vmem>> -> memref<128xi32, #tpu.memory_space<vmem>>
    %dma_start3A_59 = arith.constant 0 : i32
    %dma_start3A_60 = arith.constant 0 : i32
    %dma_start3A_61 = tpu.memref_slice %arg3[%dma_start3A_59, %dma_start3A_60] : memref<1000000x32xf32, #tpu.memory_space<hbm>> -> memref<1000000x32xf32, #tpu.memory_space<hbm>>
    %dma_start3A_62 = tpu.memref_slice %arg10[%dma_start3A_51] : memref<4x!tpu.dma_semaphore, #tpu.memory_space<semaphore_mem>> -> memref<1x!tpu.dma_semaphore, #tpu.memory_space<semaphore_mem>>
    %dma_start3A_63 = tpu.memref_squeeze %dma_start3A_62 : memref<1x!tpu.dma_semaphore, #tpu.memory_space<semaphore_mem>> -> memref<!tpu.dma_semaphore, #tpu.memory_space<semaphore_mem>>
    tpu.enqueue_indirect_dma source(%dma_start3A_61 : memref<1000000x32xf32, #tpu.memory_space<hbm>>) target(%dma_start3A_55 : memref<128x32xf32, #tpu.memory_space<vmem>>) offsets(%dma_start3A_58 : memref<128xi32, #tpu.memory_space<vmem>>) semaphore(%dma_start3A_63 : memref<!tpu.dma_semaphore, #tpu.memory_space<semaphore_mem>>)
    %scan3A = arith.constant 0 : i32
    %scan3A_64 = arith.constant 0 : i32
    %scan3A_65 = arith.constant 50 : i32
    %scan3A_66 = arith.addi %scan3A_64, %scan3A_65 : i32
    %scan3A_67 = arith.constant 1 : i32
    %scan3A_68 = scf.for %scan3A_133 = %scan3A_64 to %scan3A_66 step %scan3A_67 iter_args(%scan3A_134 = %scan3A) -> (i32)  : i32 {
      %mul3A_135 = arith.constant 4 : i32
      %mul3A_136 = arith.muli %scan3A_133, %mul3A_135 : i32
      %add3A_137 = arith.constant 0 : i32
      %add3A_138 = arith.addi %mul3A_136, %add3A_137 : i32
      %dma_wait3A_139 = arith.constant 0 : i32
      %dma_wait3A_140 = arith.constant 0 : i32
      %dma_wait3A_141 = arith.constant 0 : i32
      %dma_wait3A_142 = arith.constant 0 : i32
      %dma_wait3A_143 = tpu.memref_slice %arg8[%dma_wait3A_139, %dma_wait3A_141, %dma_wait3A_142] : memref<4x128x32xf32, #tpu.memory_space<vmem>> -> memref<1x128x32xf32, #tpu.memory_space<vmem>>
      %dma_wait3A_144 = tpu.memref_squeeze %dma_wait3A_143 : memref<1x128x32xf32, #tpu.memory_space<vmem>> -> memref<128x32xf32, #tpu.memory_space<vmem>>
      %dma_wait3A_145 = arith.constant 0 : i32
      %dma_wait3A_146 = tpu.memref_slice %arg6[%add3A_138, %dma_wait3A_145] : memref<200x128xi32, #tpu.memory_space<vmem>> -> memref<1x128xi32, #tpu.memory_space<vmem>>
      %dma_wait3A_147 = tpu.memref_squeeze %dma_wait3A_146 : memref<1x128xi32, #tpu.memory_space<vmem>> -> memref<128xi32, #tpu.memory_space<vmem>>
      %dma_wait3A_148 = arith.constant 0 : i32
      %dma_wait3A_149 = arith.constant 0 : i32
      %dma_wait3A_150 = tpu.memref_slice %arg3[%dma_wait3A_148, %dma_wait3A_149] : memref<1000000x32xf32, #tpu.memory_space<hbm>> -> memref<1000000x32xf32, #tpu.memory_space<hbm>>
      %dma_wait3A_151 = tpu.memref_slice %arg10[%dma_wait3A_140] : memref<4x!tpu.dma_semaphore, #tpu.memory_space<semaphore_mem>> -> memref<1x!tpu.dma_semaphore, #tpu.memory_space<semaphore_mem>>
      %dma_wait3A_152 = tpu.memref_squeeze %dma_wait3A_151 : memref<1x!tpu.dma_semaphore, #tpu.memory_space<semaphore_mem>> -> memref<!tpu.dma_semaphore, #tpu.memory_space<semaphore_mem>>
      tpu.wait_indirect_dma semaphore(%dma_wait3A_152 : memref<!tpu.dma_semaphore, #tpu.memory_space<semaphore_mem>>) src(%dma_wait3A_150 : memref<1000000x32xf32, #tpu.memory_space<hbm>>) dst(%dma_wait3A_144 : memref<128x32xf32, #tpu.memory_space<vmem>>)
      %gt3A = arith.constant 0 : i32
      %gt3A_153 = arith.cmpi sgt, %scan3A_133, %gt3A : i32
      %convert_element_type3A = arith.extui %gt3A_153 : i1 to i32
      %cond3A = arith.constant 0 : i32
      %cond3A_154 = arith.cmpi ne, %convert_element_type3A, %cond3A : i32
      scf.if %cond3A_154 {
        %dma_wait3A_371 = arith.constant 0 : i32
        %dma_wait3A_372 = arith.constant 0 : i32
        %dma_wait3A_373 = arith.constant 0 : i32
        %dma_wait3A_374 = arith.constant 0 : i32
        %dma_wait3A_375 = tpu.memref_slice %arg9[%dma_wait3A_371, %dma_wait3A_373, %dma_wait3A_374] : memref<4x128x32xf32, #tpu.memory_space<vmem>> -> memref<1x128x32xf32, #tpu.memory_space<vmem>>
        %dma_wait3A_376 = tpu.memref_squeeze %dma_wait3A_375 : memref<1x128x32xf32, #tpu.memory_space<vmem>> -> memref<128x32xf32, #tpu.memory_space<vmem>>
        %dma_wait3A_377 = arith.constant 0 : i32
        %dma_wait3A_378 = tpu.memref_slice %arg5[%mul3A_4, %dma_wait3A_377] : memref<819200x32xf32, #tpu.memory_space<hbm>> -> memref<128x32xf32, #tpu.memory_space<hbm>>
        %dma_wait3A_379 = tpu.memref_slice %arg11[%dma_wait3A_372] : memref<4x!tpu.dma_semaphore, #tpu.memory_space<semaphore_mem>> -> memref<1x!tpu.dma_semaphore, #tpu.memory_space<semaphore_mem>>
        %dma_wait3A_380 = tpu.memref_squeeze %dma_wait3A_379 : memref<1x!tpu.dma_semaphore, #tpu.memory_space<semaphore_mem>> -> memref<!tpu.dma_semaphore, #tpu.memory_space<semaphore_mem>>
        %dma_wait3A_381 = arith.constant 0 : i32
        %dma_wait3A_382 = tpu.memref_slice %arg5[%mul3A_4, %dma_wait3A_381] : memref<819200x32xf32, #tpu.memory_space<hbm>> -> memref<128x32xf32, #tpu.memory_space<hbm>>
        %dma_wait3A_383 = arith.constant 0 : i32
        %dma_wait3A_384 = arith.constant 0 : i32
        %dma_wait3A_385 = tpu.memref_slice %arg9[%dma_wait3A_371, %dma_wait3A_383, %dma_wait3A_384] : memref<4x128x32xf32, #tpu.memory_space<vmem>> -> memref<1x128x32xf32, #tpu.memory_space<vmem>>
        %dma_wait3A_386 = tpu.memref_squeeze %dma_wait3A_385 : memref<1x128x32xf32, #tpu.memory_space<vmem>> -> memref<128x32xf32, #tpu.memory_space<vmem>>
        tpu.wait_dma2 semaphore(%dma_wait3A_380 : memref<!tpu.dma_semaphore, #tpu.memory_space<semaphore_mem>>) src(%dma_wait3A_386 : memref<128x32xf32, #tpu.memory_space<vmem>>) dst(%dma_wait3A_382 : memref<128x32xf32, #tpu.memory_space<hbm>>)
      } else {
      }
      %mul3A_155 = arith.constant 128 : i32
      %mul3A_156 = arith.muli %add3A_138, %mul3A_155 : i32
      %rem3A = arith.constant 200 : i32
      %rem3A_157 = arith.remsi %mul3A_156, %rem3A : i32
      %scan3A_158 = arith.constant 0 : i32
      %scan3A_159 = arith.constant 0 : i32
      %scan3A_160 = arith.constant 128 : i32
      %scan3A_161 = arith.addi %scan3A_159, %scan3A_160 : i32
      %scan3A_162 = arith.constant 4 : i32
      %scan3A_163 = scf.for %scan3A_371 = %scan3A_159 to %scan3A_161 step %scan3A_162 iter_args(%scan3A_372 = %scan3A_158) -> (i32)  : i32 {
        %add3A_373 = arith.addi %rem3A_157, %scan3A_371 : i32
        %get3A = arith.constant 0 : i32
        %get3A_374 = arith.index_cast %get3A : i32 to index
        %get3A_375 = arith.index_cast %scan3A_371 : i32 to index
        %get3A_376 = arith.constant 0 : index
        %get3A_377 = tpu.vector_load %arg8[%get3A_374, %get3A_375, %get3A_376] {strides = array<i32>} : memref<4x128x32xf32, #tpu.memory_space<vmem>>, vector<1x1x16xf32>,
        %get3A_378 = vector.shape_cast %get3A_377 : vector<1x1x16xf32> to vector<16xf32>
        %get3A_379 = arith.index_cast %add3A_373 : i32 to index
        %get3A_380 = arith.constant 0 : index
        %get3A_381 = tpu.vector_load %arg7[%get3A_379, %get3A_380] {strides = array<i32>} : memref<328x32xf32, #tpu.memory_space<vmem>>, vector<1x16xf32>,
        %get3A_382 = vector.shape_cast %get3A_381 : vector<1x16xf32> to vector<16xf32>
        %add3A_383 = arith.addf %get3A_378, %get3A_382 : vector<16xf32>
        %swap3A = arith.constant 0 : i32
        %swap3A_384 = arith.index_cast %swap3A : i32 to index
        %swap3A_385 = arith.index_cast %scan3A_371 : i32 to index
        %swap3A_386 = arith.constant 0 : index
        %swap3A_387 = tpu.vector_load %arg9[%swap3A_384, %swap3A_385, %swap3A_386] {strides = array<i32>} : memref<4x128x32xf32, #tpu.memory_space<vmem>>, vector<1x1x16xf32>,
        %swap3A_388 = vector.shape_cast %swap3A_387 : vector<1x1x16xf32> to vector<16xf32>
        %swap3A_389 = vector.shape_cast %add3A_383 : vector<16xf32> to vector<1x1x16xf32>
        tpu.vector_store %arg9[%swap3A_384, %swap3A_385, %swap3A_386], %swap3A_389 {strides = array<i32>} : memref<4x128x32xf32, #tpu.memory_space<vmem>>, vector<1x1x16xf32>,
        %get3A_390 = arith.constant 0 : i32
        %get3A_391 = arith.index_cast %get3A_390 : i32 to index
        %get3A_392 = arith.index_cast %scan3A_371 : i32 to index
        %get3A_393 = arith.constant 16 : index
        %get3A_394 = tpu.vector_load %arg8[%get3A_391, %get3A_392, %get3A_393] {strides = array<i32>} : memref<4x128x32xf32, #tpu.memory_space<vmem>>, vector<1x1x16xf32>,
        %get3A_395 = vector.shape_cast %get3A_394 : vector<1x1x16xf32> to vector<16xf32>
        %get3A_396 = arith.index_cast %add3A_373 : i32 to index
        %get3A_397 = arith.constant 16 : index
        %get3A_398 = tpu.vector_load %arg7[%get3A_396, %get3A_397] {strides = array<i32>} : memref<328x32xf32, #tpu.memory_space<vmem>>, vector<1x16xf32>,
        %get3A_399 = vector.shape_cast %get3A_398 : vector<1x16xf32> to vector<16xf32>
        %add3A_400 = arith.addf %get3A_395, %get3A_399 : vector<16xf32>
        %swap3A_401 = arith.constant 0 : i32
        %swap3A_402 = arith.index_cast %swap3A_401 : i32 to index
        %swap3A_403 = arith.index_cast %scan3A_371 : i32 to index
        %swap3A_404 = arith.constant 16 : index
        %swap3A_405 = tpu.vector_load %arg9[%swap3A_402, %swap3A_403, %swap3A_404] {strides = array<i32>} : memref<4x128x32xf32, #tpu.memory_space<vmem>>, vector<1x1x16xf32>,
        %swap3A_406 = vector.shape_cast %swap3A_405 : vector<1x1x16xf32> to vector<16xf32>
        %swap3A_407 = vector.shape_cast %add3A_400 : vector<16xf32> to vector<1x1x16xf32>
        tpu.vector_store %arg9[%swap3A_402, %swap3A_403, %swap3A_404], %swap3A_407 {strides = array<i32>} : memref<4x128x32xf32, #tpu.memory_space<vmem>>, vector<1x1x16xf32>,
        %scan3A_408 = arith.constant 0 : i32
        %scan3A_409 = arith.constant 1 : i32
        %scan3A_410 = arith.addi %scan3A_371, %scan3A_409 : i32
        %add3A_411 = arith.addi %rem3A_157, %scan3A_410 : i32
        %get3A_412 = arith.constant 0 : i32
        %get3A_413 = arith.index_cast %get3A_412 : i32 to index
        %get3A_414 = arith.index_cast %scan3A_410 : i32 to index
        %get3A_415 = arith.constant 0 : index
        %get3A_416 = tpu.vector_load %arg8[%get3A_413, %get3A_414, %get3A_415] {strides = array<i32>} : memref<4x128x32xf32, #tpu.memory_space<vmem>>, vector<1x1x16xf32>,
        %get3A_417 = vector.shape_cast %get3A_416 : vector<1x1x16xf32> to vector<16xf32>
        %get3A_418 = arith.index_cast %add3A_411 : i32 to index
        %get3A_419 = arith.constant 0 : index
        %get3A_420 = tpu.vector_load %arg7[%get3A_418, %get3A_419] {strides = array<i32>} : memref<328x32xf32, #tpu.memory_space<vmem>>, vector<1x16xf32>,
        %get3A_421 = vector.shape_cast %get3A_420 : vector<1x16xf32> to vector<16xf32>
        %add3A_422 = arith.addf %get3A_417, %get3A_421 : vector<16xf32>
        %swap3A_423 = arith.constant 0 : i32
        %swap3A_424 = arith.index_cast %swap3A_423 : i32 to index
        %swap3A_425 = arith.index_cast %scan3A_410 : i32 to index
        %swap3A_426 = arith.constant 0 : index
        %swap3A_427 = tpu.vector_load %arg9[%swap3A_424, %swap3A_425, %swap3A_426] {strides = array<i32>} : memref<4x128x32xf32, #tpu.memory_space<vmem>>, vector<1x1x16xf32>,
        %swap3A_428 = vector.shape_cast %swap3A_427 : vector<1x1x16xf32> to vector<16xf32>
        %swap3A_429 = vector.shape_cast %add3A_422 : vector<16xf32> to vector<1x1x16xf32>
        tpu.vector_store %arg9[%swap3A_424, %swap3A_425, %swap3A_426], %swap3A_429 {strides = array<i32>} : memref<4x128x32xf32, #tpu.memory_space<vmem>>, vector<1x1x16xf32>,
        %get3A_430 = arith.constant 0 : i32
        %get3A_431 = arith.index_cast %get3A_430 : i32 to index
        %get3A_432 = arith.index_cast %scan3A_410 : i32 to index
        %get3A_433 = arith.constant 16 : index
        %get3A_434 = tpu.vector_load %arg8[%get3A_431, %get3A_432, %get3A_433] {strides = array<i32>} : memref<4x128x32xf32, #tpu.memory_space<vmem>>, vector<1x1x16xf32>,
        %get3A_435 = vector.shape_cast %get3A_434 : vector<1x1x16xf32> to vector<16xf32>
        %get3A_436 = arith.index_cast %add3A_411 : i32 to index
        %get3A_437 = arith.constant 16 : index
        %get3A_438 = tpu.vector_load %arg7[%get3A_436, %get3A_437] {strides = array<i32>} : memref<328x32xf32, #tpu.memory_space<vmem>>, vector<1x16xf32>,
        %get3A_439 = vector.shape_cast %get3A_438 : vector<1x16xf32> to vector<16xf32>
        %add3A_440 = arith.addf %get3A_435, %get3A_439 : vector<16xf32>
        %swap3A_441 = arith.constant 0 : i32
        %swap3A_442 = arith.index_cast %swap3A_441 : i32 to index
        %swap3A_443 = arith.index_cast %scan3A_410 : i32 to index
        %swap3A_444 = arith.constant 16 : index
        %swap3A_445 = tpu.vector_load %arg9[%swap3A_442, %swap3A_443, %swap3A_444] {strides = array<i32>} : memref<4x128x32xf32, #tpu.memory_space<vmem>>, vector<1x1x16xf32>,
        %swap3A_446 = vector.shape_cast %swap3A_445 : vector<1x1x16xf32> to vector<16xf32>
        %swap3A_447 = vector.shape_cast %add3A_440 : vector<16xf32> to vector<1x1x16xf32>
        tpu.vector_store %arg9[%swap3A_442, %swap3A_443, %swap3A_444], %swap3A_447 {strides = array<i32>} : memref<4x128x32xf32, #tpu.memory_space<vmem>>, vector<1x1x16xf32>,
        %scan3A_448 = arith.constant 0 : i32
        %scan3A_449 = arith.constant 2 : i32
        %scan3A_450 = arith.addi %scan3A_371, %scan3A_449 : i32
        %add3A_451 = arith.addi %rem3A_157, %scan3A_450 : i32
        %get3A_452 = arith.constant 0 : i32
        %get3A_453 = arith.index_cast %get3A_452 : i32 to index
        %get3A_454 = arith.index_cast %scan3A_450 : i32 to index
        %get3A_455 = arith.constant 0 : index
        %get3A_456 = tpu.vector_load %arg8[%get3A_453, %get3A_454, %get3A_455] {strides = array<i32>} : memref<4x128x32xf32, #tpu.memory_space<vmem>>, vector<1x1x16xf32>,
        %get3A_457 = vector.shape_cast %get3A_456 : vector<1x1x16xf32> to vector<16xf32>
        %get3A_458 = arith.index_cast %add3A_451 : i32 to index
        %get3A_459 = arith.constant 0 : index
        %get3A_460 = tpu.vector_load %arg7[%get3A_458, %get3A_459] {strides = array<i32>} : memref<328x32xf32, #tpu.memory_space<vmem>>, vector<1x16xf32>,
        %get3A_461 = vector.shape_cast %get3A_460 : vector<1x16xf32> to vector<16xf32>
        %add3A_462 = arith.addf %get3A_457, %get3A_461 : vector<16xf32>
        %swap3A_463 = arith.constant 0 : i32
        %swap3A_464 = arith.index_cast %swap3A_463 : i32 to index
        %swap3A_465 = arith.index_cast %scan3A_450 : i32 to index
        %swap3A_466 = arith.constant 0 : index
        %swap3A_467 = tpu.vector_load %arg9[%swap3A_464, %swap3A_465, %swap3A_466] {strides = array<i32>} : memref<4x128x32xf32, #tpu.memory_space<vmem>>, vector<1x1x16xf32>,
        %swap3A_468 = vector.shape_cast %swap3A_467 : vector<1x1x16xf32> to vector<16xf32>
        %swap3A_469 = vector.shape_cast %add3A_462 : vector<16xf32> to vector<1x1x16xf32>
        tpu.vector_store %arg9[%swap3A_464, %swap3A_465, %swap3A_466], %swap3A_469 {strides = array<i32>} : memref<4x128x32xf32, #tpu.memory_space<vmem>>, vector<1x1x16xf32>,
        %get3A_470 = arith.constant 0 : i32
        %get3A_471 = arith.index_cast %get3A_470 : i32 to index
        %get3A_472 = arith.index_cast %scan3A_450 : i32 to index
        %get3A_473 = arith.constant 16 : index
        %get3A_474 = tpu.vector_load %arg8[%get3A_471, %get3A_472, %get3A_473] {strides = array<i32>} : memref<4x128x32xf32, #tpu.memory_space<vmem>>, vector<1x1x16xf32>,
        %get3A_475 = vector.shape_cast %get3A_474 : vector<1x1x16xf32> to vector<16xf32>
        %get3A_476 = arith.index_cast %add3A_451 : i32 to index
        %get3A_477 = arith.constant 16 : index
        %get3A_478 = tpu.vector_load %arg7[%get3A_476, %get3A_477] {strides = array<i32>} : memref<328x32xf32, #tpu.memory_space<vmem>>, vector<1x16xf32>,
        %get3A_479 = vector.shape_cast %get3A_478 : vector<1x16xf32> to vector<16xf32>
        %add3A_480 = arith.addf %get3A_475, %get3A_479 : vector<16xf32>
        %swap3A_481 = arith.constant 0 : i32
        %swap3A_482 = arith.index_cast %swap3A_481 : i32 to index
        %swap3A_483 = arith.index_cast %scan3A_450 : i32 to index
        %swap3A_484 = arith.constant 16 : index
        %swap3A_485 = tpu.vector_load %arg9[%swap3A_482, %swap3A_483, %swap3A_484] {strides = array<i32>} : memref<4x128x32xf32, #tpu.memory_space<vmem>>, vector<1x1x16xf32>,
        %swap3A_486 = vector.shape_cast %swap3A_485 : vector<1x1x16xf32> to vector<16xf32>
        %swap3A_487 = vector.shape_cast %add3A_480 : vector<16xf32> to vector<1x1x16xf32>
        tpu.vector_store %arg9[%swap3A_482, %swap3A_483, %swap3A_484], %swap3A_487 {strides = array<i32>} : memref<4x128x32xf32, #tpu.memory_space<vmem>>, vector<1x1x16xf32>,
        %scan3A_488 = arith.constant 0 : i32
        %scan3A_489 = arith.constant 3 : i32
        %scan3A_490 = arith.addi %scan3A_371, %scan3A_489 : i32
        %add3A_491 = arith.addi %rem3A_157, %scan3A_490 : i32
        %get3A_492 = arith.constant 0 : i32
        %get3A_493 = arith.index_cast %get3A_492 : i32 to index
        %get3A_494 = arith.index_cast %scan3A_490 : i32 to index
        %get3A_495 = arith.constant 0 : index
        %get3A_496 = tpu.vector_load %arg8[%get3A_493, %get3A_494, %get3A_495] {strides = array<i32>} : memref<4x128x32xf32, #tpu.memory_space<vmem>>, vector<1x1x16xf32>,
        %get3A_497 = vector.shape_cast %get3A_496 : vector<1x1x16xf32> to vector<16xf32>
        %get3A_498 = arith.index_cast %add3A_491 : i32 to index
        %get3A_499 = arith.constant 0 : index
        %get3A_500 = tpu.vector_load %arg7[%get3A_498, %get3A_499] {strides = array<i32>} : memref<328x32xf32, #tpu.memory_space<vmem>>, vector<1x16xf32>,
        %get3A_501 = vector.shape_cast %get3A_500 : vector<1x16xf32> to vector<16xf32>
        %add3A_502 = arith.addf %get3A_497, %get3A_501 : vector<16xf32>
        %swap3A_503 = arith.constant 0 : i32
        %swap3A_504 = arith.index_cast %swap3A_503 : i32 to index
        %swap3A_505 = arith.index_cast %scan3A_490 : i32 to index
        %swap3A_506 = arith.constant 0 : index
        %swap3A_507 = tpu.vector_load %arg9[%swap3A_504, %swap3A_505, %swap3A_506] {strides = array<i32>} : memref<4x128x32xf32, #tpu.memory_space<vmem>>, vector<1x1x16xf32>,
        %swap3A_508 = vector.shape_cast %swap3A_507 : vector<1x1x16xf32> to vector<16xf32>
        %swap3A_509 = vector.shape_cast %add3A_502 : vector<16xf32> to vector<1x1x16xf32>
        tpu.vector_store %arg9[%swap3A_504, %swap3A_505, %swap3A_506], %swap3A_509 {strides = array<i32>} : memref<4x128x32xf32, #tpu.memory_space<vmem>>, vector<1x1x16xf32>,
        %get3A_510 = arith.constant 0 : i32
        %get3A_511 = arith.index_cast %get3A_510 : i32 to index
        %get3A_512 = arith.index_cast %scan3A_490 : i32 to index
        %get3A_513 = arith.constant 16 : index
        %get3A_514 = tpu.vector_load %arg8[%get3A_511, %get3A_512, %get3A_513] {strides = array<i32>} : memref<4x128x32xf32, #tpu.memory_space<vmem>>, vector<1x1x16xf32>,
        %get3A_515 = vector.shape_cast %get3A_514 : vector<1x1x16xf32> to vector<16xf32>
        %get3A_516 = arith.index_cast %add3A_491 : i32 to index
        %get3A_517 = arith.constant 16 : index
        %get3A_518 = tpu.vector_load %arg7[%get3A_516, %get3A_517] {strides = array<i32>} : memref<328x32xf32, #tpu.memory_space<vmem>>, vector<1x16xf32>,
        %get3A_519 = vector.shape_cast %get3A_518 : vector<1x16xf32> to vector<16xf32>
        %add3A_520 = arith.addf %get3A_515, %get3A_519 : vector<16xf32>
        %swap3A_521 = arith.constant 0 : i32
        %swap3A_522 = arith.index_cast %swap3A_521 : i32 to index
        %swap3A_523 = arith.index_cast %scan3A_490 : i32 to index
        %swap3A_524 = arith.constant 16 : index
        %swap3A_525 = tpu.vector_load %arg9[%swap3A_522, %swap3A_523, %swap3A_524] {strides = array<i32>} : memref<4x128x32xf32, #tpu.memory_space<vmem>>, vector<1x1x16xf32>,
        %swap3A_526 = vector.shape_cast %swap3A_525 : vector<1x1x16xf32> to vector<16xf32>
        %swap3A_527 = vector.shape_cast %add3A_520 : vector<16xf32> to vector<1x1x16xf32>
        tpu.vector_store %arg9[%swap3A_522, %swap3A_523, %swap3A_524], %swap3A_527 {strides = array<i32>} : memref<4x128x32xf32, #tpu.memory_space<vmem>>, vector<1x1x16xf32>,
        %scan3A_528 = arith.constant 0 : i32
        scf.yield %scan3A_528 : i32
      }
      %scan3A_164 = arith.constant 128 : i32
      %mul3A_165 = arith.constant 128 : i32
      %mul3A_166 = arith.muli %add3A_138, %mul3A_165 : i32
      %add3A_167 = arith.addi %mul3A_4, %mul3A_166 : i32
      %dma_start3A_168 = arith.constant 0 : i32
      %dma_start3A_169 = arith.constant 0 : i32
      %dma_start3A_170 = arith.constant 0 : i32
      %dma_start3A_171 = arith.constant 0 : i32
      %dma_start3A_172 = tpu.memref_slice %arg9[%dma_start3A_168, %dma_start3A_170, %dma_start3A_171] : memref<4x128x32xf32, #tpu.memory_space<vmem>> -> memref<1x128x32xf32, #tpu.memory_space<vmem>>
      %dma_start3A_173 = tpu.memref_squeeze %dma_start3A_172 : memref<1x128x32xf32, #tpu.memory_space<vmem>> -> memref<128x32xf32, #tpu.memory_space<vmem>>
      %dma_start3A_174 = arith.constant 0 : i32
      %dma_start3A_175 = tpu.memref_slice %arg5[%add3A_167, %dma_start3A_174] : memref<819200x32xf32, #tpu.memory_space<hbm>> -> memref<128x32xf32, #tpu.memory_space<hbm>>
      %dma_start3A_176 = tpu.memref_slice %arg11[%dma_start3A_169] : memref<4x!tpu.dma_semaphore, #tpu.memory_space<semaphore_mem>> -> memref<1x!tpu.dma_semaphore, #tpu.memory_space<semaphore_mem>>
      %dma_start3A_177 = tpu.memref_squeeze %dma_start3A_176 : memref<1x!tpu.dma_semaphore, #tpu.memory_space<semaphore_mem>> -> memref<!tpu.dma_semaphore, #tpu.memory_space<semaphore_mem>>
      %dma_start3A_178 = arith.constant 0 : i32
      %dma_start3A_179 = tpu.memref_slice %arg5[%add3A_167, %dma_start3A_178] : memref<819200x32xf32, #tpu.memory_space<hbm>> -> memref<128x32xf32, #tpu.memory_space<hbm>>
      %dma_start3A_180 = arith.constant 0 : i32
      %dma_start3A_181 = arith.constant 0 : i32
      %dma_start3A_182 = tpu.memref_slice %arg9[%dma_start3A_168, %dma_start3A_180, %dma_start3A_181] : memref<4x128x32xf32, #tpu.memory_space<vmem>> -> memref<1x128x32xf32, #tpu.memory_space<vmem>>
      %dma_start3A_183 = tpu.memref_squeeze %dma_start3A_182 : memref<1x128x32xf32, #tpu.memory_space<vmem>> -> memref<128x32xf32, #tpu.memory_space<vmem>>
      tpu.enqueue_dma source(%dma_start3A_183 : memref<128x32xf32, #tpu.memory_space<vmem>>) target(%dma_start3A_179 : memref<128x32xf32, #tpu.memory_space<hbm>>) target_semaphore(%dma_start3A_177 : memref<!tpu.dma_semaphore, #tpu.memory_space<semaphore_mem>>)
      %add3A_184 = arith.constant 4 : i32
      %add3A_185 = arith.addi %add3A_138, %add3A_184 : i32
      %lt3A = arith.constant 200 : i32
      %lt3A_186 = arith.cmpi slt, %add3A_185, %lt3A : i32
      %convert_element_type3A_187 = arith.extui %lt3A_186 : i1 to i32
      %cond3A_188 = arith.constant 0 : i32
      %cond3A_189 = arith.cmpi ne, %convert_element_type3A_187, %cond3A_188 : i32
      scf.if %cond3A_189 {
        %add3A_371 = arith.constant 4 : i32
        %add3A_372 = arith.addi %add3A_138, %add3A_371 : i32
        %dma_start3A_373 = arith.constant 0 : i32
        %dma_start3A_374 = arith.constant 0 : i32
        %dma_start3A_375 = arith.constant 0 : i32
        %dma_start3A_376 = arith.constant 0 : i32
        %dma_start3A_377 = tpu.memref_slice %arg8[%dma_start3A_373, %dma_start3A_375, %dma_start3A_376] : memref<4x128x32xf32, #tpu.memory_space<vmem>> -> memref<1x128x32xf32, #tpu.memory_space<vmem>>
        %dma_start3A_378 = tpu.memref_squeeze %dma_start3A_377 : memref<1x128x32xf32, #tpu.memory_space<vmem>> -> memref<128x32xf32, #tpu.memory_space<vmem>>
        %dma_start3A_379 = arith.constant 0 : i32
        %dma_start3A_380 = tpu.memref_slice %arg6[%add3A_372, %dma_start3A_379] : memref<200x128xi32, #tpu.memory_space<vmem>> -> memref<1x128xi32, #tpu.memory_space<vmem>>
        %dma_start3A_381 = tpu.memref_squeeze %dma_start3A_380 : memref<1x128xi32, #tpu.memory_space<vmem>> -> memref<128xi32, #tpu.memory_space<vmem>>
        %dma_start3A_382 = arith.constant 0 : i32
        %dma_start3A_383 = arith.constant 0 : i32
        %dma_start3A_384 = tpu.memref_slice %arg3[%dma_start3A_382, %dma_start3A_383] : memref<1000000x32xf32, #tpu.memory_space<hbm>> -> memref<1000000x32xf32, #tpu.memory_space<hbm>>
        %dma_start3A_385 = tpu.memref_slice %arg10[%dma_start3A_374] : memref<4x!tpu.dma_semaphore, #tpu.memory_space<semaphore_mem>> -> memref<1x!tpu.dma_semaphore, #tpu.memory_space<semaphore_mem>>
        %dma_start3A_386 = tpu.memref_squeeze %dma_start3A_385 : memref<1x!tpu.dma_semaphore, #tpu.memory_space<semaphore_mem>> -> memref<!tpu.dma_semaphore, #tpu.memory_space<semaphore_mem>>
        tpu.enqueue_indirect_dma source(%dma_start3A_384 : memref<1000000x32xf32, #tpu.memory_space<hbm>>) target(%dma_start3A_378 : memref<128x32xf32, #tpu.memory_space<vmem>>) offsets(%dma_start3A_381 : memref<128xi32, #tpu.memory_space<vmem>>) semaphore(%dma_start3A_386 : memref<!tpu.dma_semaphore, #tpu.memory_space<semaphore_mem>>)
      } else {
      }
      %mul3A_190 = arith.constant 4 : i32
      %mul3A_191 = arith.muli %scan3A_133, %mul3A_190 : i32
      %add3A_192 = arith.constant 1 : i32
      %add3A_193 = arith.addi %mul3A_191, %add3A_192 : i32
      %dma_wait3A_194 = arith.constant 1 : i32
      %dma_wait3A_195 = arith.constant 1 : i32
      %dma_wait3A_196 = arith.constant 0 : i32
      %dma_wait3A_197 = arith.constant 0 : i32
      %dma_wait3A_198 = tpu.memref_slice %arg8[%dma_wait3A_194, %dma_wait3A_196, %dma_wait3A_197] : memref<4x128x32xf32, #tpu.memory_space<vmem>> -> memref<1x128x32xf32, #tpu.memory_space<vmem>>
      %dma_wait3A_199 = tpu.memref_squeeze %dma_wait3A_198 : memref<1x128x32xf32, #tpu.memory_space<vmem>> -> memref<128x32xf32, #tpu.memory_space<vmem>>
      %dma_wait3A_200 = arith.constant 0 : i32
      %dma_wait3A_201 = tpu.memref_slice %arg6[%add3A_193, %dma_wait3A_200] : memref<200x128xi32, #tpu.memory_space<vmem>> -> memref<1x128xi32, #tpu.memory_space<vmem>>
      %dma_wait3A_202 = tpu.memref_squeeze %dma_wait3A_201 : memref<1x128xi32, #tpu.memory_space<vmem>> -> memref<128xi32, #tpu.memory_space<vmem>>
      %dma_wait3A_203 = arith.constant 0 : i32
      %dma_wait3A_204 = arith.constant 0 : i32
      %dma_wait3A_205 = tpu.memref_slice %arg3[%dma_wait3A_203, %dma_wait3A_204] : memref<1000000x32xf32, #tpu.memory_space<hbm>> -> memref<1000000x32xf32, #tpu.memory_space<hbm>>
      %dma_wait3A_206 = tpu.memref_slice %arg10[%dma_wait3A_195] : memref<4x!tpu.dma_semaphore, #tpu.memory_space<semaphore_mem>> -> memref<1x!tpu.dma_semaphore, #tpu.memory_space<semaphore_mem>>
      %dma_wait3A_207 = tpu.memref_squeeze %dma_wait3A_206 : memref<1x!tpu.dma_semaphore, #tpu.memory_space<semaphore_mem>> -> memref<!tpu.dma_semaphore, #tpu.memory_space<semaphore_mem>>
      tpu.wait_indirect_dma semaphore(%dma_wait3A_207 : memref<!tpu.dma_semaphore, #tpu.memory_space<semaphore_mem>>) src(%dma_wait3A_205 : memref<1000000x32xf32, #tpu.memory_space<hbm>>) dst(%dma_wait3A_199 : memref<128x32xf32, #tpu.memory_space<vmem>>)
      %gt3A_208 = arith.constant 0 : i32
      %gt3A_209 = arith.cmpi sgt, %scan3A_133, %gt3A_208 : i32
      %convert_element_type3A_210 = arith.extui %gt3A_209 : i1 to i32
      %cond3A_211 = arith.constant 0 : i32
      %cond3A_212 = arith.cmpi ne, %convert_element_type3A_210, %cond3A_211 : i32
      scf.if %cond3A_212 {
        %dma_wait3A_371 = arith.constant 1 : i32
        %dma_wait3A_372 = arith.constant 1 : i32
        %dma_wait3A_373 = arith.constant 0 : i32
        %dma_wait3A_374 = arith.constant 0 : i32
        %dma_wait3A_375 = tpu.memref_slice %arg9[%dma_wait3A_371, %dma_wait3A_373, %dma_wait3A_374] : memref<4x128x32xf32, #tpu.memory_space<vmem>> -> memref<1x128x32xf32, #tpu.memory_space<vmem>>
        %dma_wait3A_376 = tpu.memref_squeeze %dma_wait3A_375 : memref<1x128x32xf32, #tpu.memory_space<vmem>> -> memref<128x32xf32, #tpu.memory_space<vmem>>
        %dma_wait3A_377 = arith.constant 0 : i32
        %dma_wait3A_378 = tpu.memref_slice %arg5[%mul3A_4, %dma_wait3A_377] : memref<819200x32xf32, #tpu.memory_space<hbm>> -> memref<128x32xf32, #tpu.memory_space<hbm>>
        %dma_wait3A_379 = tpu.memref_slice %arg11[%dma_wait3A_372] : memref<4x!tpu.dma_semaphore, #tpu.memory_space<semaphore_mem>> -> memref<1x!tpu.dma_semaphore, #tpu.memory_space<semaphore_mem>>
        %dma_wait3A_380 = tpu.memref_squeeze %dma_wait3A_379 : memref<1x!tpu.dma_semaphore, #tpu.memory_space<semaphore_mem>> -> memref<!tpu.dma_semaphore, #tpu.memory_space<semaphore_mem>>
        %dma_wait3A_381 = arith.constant 0 : i32
        %dma_wait3A_382 = tpu.memref_slice %arg5[%mul3A_4, %dma_wait3A_381] : memref<819200x32xf32, #tpu.memory_space<hbm>> -> memref<128x32xf32, #tpu.memory_space<hbm>>
        %dma_wait3A_383 = arith.constant 0 : i32
        %dma_wait3A_384 = arith.constant 0 : i32
        %dma_wait3A_385 = tpu.memref_slice %arg9[%dma_wait3A_371, %dma_wait3A_383, %dma_wait3A_384] : memref<4x128x32xf32, #tpu.memory_space<vmem>> -> memref<1x128x32xf32, #tpu.memory_space<vmem>>
        %dma_wait3A_386 = tpu.memref_squeeze %dma_wait3A_385 : memref<1x128x32xf32, #tpu.memory_space<vmem>> -> memref<128x32xf32, #tpu.memory_space<vmem>>
        tpu.wait_dma2 semaphore(%dma_wait3A_380 : memref<!tpu.dma_semaphore, #tpu.memory_space<semaphore_mem>>) src(%dma_wait3A_386 : memref<128x32xf32, #tpu.memory_space<vmem>>) dst(%dma_wait3A_382 : memref<128x32xf32, #tpu.memory_space<hbm>>)
      } else {
      }
      %mul3A_213 = arith.constant 128 : i32
      %mul3A_214 = arith.muli %add3A_193, %mul3A_213 : i32
      %rem3A_215 = arith.constant 200 : i32
      %rem3A_216 = arith.remsi %mul3A_214, %rem3A_215 : i32
      %scan3A_217 = arith.constant 0 : i32
      %scan3A_218 = arith.constant 0 : i32
      %scan3A_219 = arith.constant 128 : i32
      %scan3A_220 = arith.addi %scan3A_218, %scan3A_219 : i32
      %scan3A_221 = arith.constant 4 : i32
      %scan3A_222 = scf.for %scan3A_371 = %scan3A_218 to %scan3A_220 step %scan3A_221 iter_args(%scan3A_372 = %scan3A_217) -> (i32)  : i32 {
        %add3A_373 = arith.addi %rem3A_216, %scan3A_371 : i32
        %get3A = arith.constant 1 : i32
        %get3A_374 = arith.index_cast %get3A : i32 to index
        %get3A_375 = arith.index_cast %scan3A_371 : i32 to index
        %get3A_376 = arith.constant 0 : index
        %get3A_377 = tpu.vector_load %arg8[%get3A_374, %get3A_375, %get3A_376] {strides = array<i32>} : memref<4x128x32xf32, #tpu.memory_space<vmem>>, vector<1x1x16xf32>,
        %get3A_378 = vector.shape_cast %get3A_377 : vector<1x1x16xf32> to vector<16xf32>
        %get3A_379 = arith.index_cast %add3A_373 : i32 to index
        %get3A_380 = arith.constant 0 : index
        %get3A_381 = tpu.vector_load %arg7[%get3A_379, %get3A_380] {strides = array<i32>} : memref<328x32xf32, #tpu.memory_space<vmem>>, vector<1x16xf32>,
        %get3A_382 = vector.shape_cast %get3A_381 : vector<1x16xf32> to vector<16xf32>
        %add3A_383 = arith.addf %get3A_378, %get3A_382 : vector<16xf32>
        %swap3A = arith.constant 1 : i32
        %swap3A_384 = arith.index_cast %swap3A : i32 to index
        %swap3A_385 = arith.index_cast %scan3A_371 : i32 to index
        %swap3A_386 = arith.constant 0 : index
        %swap3A_387 = tpu.vector_load %arg9[%swap3A_384, %swap3A_385, %swap3A_386] {strides = array<i32>} : memref<4x128x32xf32, #tpu.memory_space<vmem>>, vector<1x1x16xf32>,
        %swap3A_388 = vector.shape_cast %swap3A_387 : vector<1x1x16xf32> to vector<16xf32>
        %swap3A_389 = vector.shape_cast %add3A_383 : vector<16xf32> to vector<1x1x16xf32>
        tpu.vector_store %arg9[%swap3A_384, %swap3A_385, %swap3A_386], %swap3A_389 {strides = array<i32>} : memref<4x128x32xf32, #tpu.memory_space<vmem>>, vector<1x1x16xf32>,
        %get3A_390 = arith.constant 1 : i32
        %get3A_391 = arith.index_cast %get3A_390 : i32 to index
        %get3A_392 = arith.index_cast %scan3A_371 : i32 to index
        %get3A_393 = arith.constant 16 : index
        %get3A_394 = tpu.vector_load %arg8[%get3A_391, %get3A_392, %get3A_393] {strides = array<i32>} : memref<4x128x32xf32, #tpu.memory_space<vmem>>, vector<1x1x16xf32>,
        %get3A_395 = vector.shape_cast %get3A_394 : vector<1x1x16xf32> to vector<16xf32>
        %get3A_396 = arith.index_cast %add3A_373 : i32 to index
        %get3A_397 = arith.constant 16 : index
        %get3A_398 = tpu.vector_load %arg7[%get3A_396, %get3A_397] {strides = array<i32>} : memref<328x32xf32, #tpu.memory_space<vmem>>, vector<1x16xf32>,
        %get3A_399 = vector.shape_cast %get3A_398 : vector<1x16xf32> to vector<16xf32>
        %add3A_400 = arith.addf %get3A_395, %get3A_399 : vector<16xf32>
        %swap3A_401 = arith.constant 1 : i32
        %swap3A_402 = arith.index_cast %swap3A_401 : i32 to index
        %swap3A_403 = arith.index_cast %scan3A_371 : i32 to index
        %swap3A_404 = arith.constant 16 : index
        %swap3A_405 = tpu.vector_load %arg9[%swap3A_402, %swap3A_403, %swap3A_404] {strides = array<i32>} : memref<4x128x32xf32, #tpu.memory_space<vmem>>, vector<1x1x16xf32>,
        %swap3A_406 = vector.shape_cast %swap3A_405 : vector<1x1x16xf32> to vector<16xf32>
        %swap3A_407 = vector.shape_cast %add3A_400 : vector<16xf32> to vector<1x1x16xf32>
        tpu.vector_store %arg9[%swap3A_402, %swap3A_403, %swap3A_404], %swap3A_407 {strides = array<i32>} : memref<4x128x32xf32, #tpu.memory_space<vmem>>, vector<1x1x16xf32>,
        %scan3A_408 = arith.constant 0 : i32
        %scan3A_409 = arith.constant 1 : i32
        %scan3A_410 = arith.addi %scan3A_371, %scan3A_409 : i32
        %add3A_411 = arith.addi %rem3A_216, %scan3A_410 : i32
        %get3A_412 = arith.constant 1 : i32
        %get3A_413 = arith.index_cast %get3A_412 : i32 to index
        %get3A_414 = arith.index_cast %scan3A_410 : i32 to index
        %get3A_415 = arith.constant 0 : index
        %get3A_416 = tpu.vector_load %arg8[%get3A_413, %get3A_414, %get3A_415] {strides = array<i32>} : memref<4x128x32xf32, #tpu.memory_space<vmem>>, vector<1x1x16xf32>,
        %get3A_417 = vector.shape_cast %get3A_416 : vector<1x1x16xf32> to vector<16xf32>
        %get3A_418 = arith.index_cast %add3A_411 : i32 to index
        %get3A_419 = arith.constant 0 : index
        %get3A_420 = tpu.vector_load %arg7[%get3A_418, %get3A_419] {strides = array<i32>} : memref<328x32xf32, #tpu.memory_space<vmem>>, vector<1x16xf32>,
        %get3A_421 = vector.shape_cast %get3A_420 : vector<1x16xf32> to vector<16xf32>
        %add3A_422 = arith.addf %get3A_417, %get3A_421 : vector<16xf32>
        %swap3A_423 = arith.constant 1 : i32
        %swap3A_424 = arith.index_cast %swap3A_423 : i32 to index
        %swap3A_425 = arith.index_cast %scan3A_410 : i32 to index
        %swap3A_426 = arith.constant 0 : index
        %swap3A_427 = tpu.vector_load %arg9[%swap3A_424, %swap3A_425, %swap3A_426] {strides = array<i32>} : memref<4x128x32xf32, #tpu.memory_space<vmem>>, vector<1x1x16xf32>,
        %swap3A_428 = vector.shape_cast %swap3A_427 : vector<1x1x16xf32> to vector<16xf32>
        %swap3A_429 = vector.shape_cast %add3A_422 : vector<16xf32> to vector<1x1x16xf32>
        tpu.vector_store %arg9[%swap3A_424, %swap3A_425, %swap3A_426], %swap3A_429 {strides = array<i32>} : memref<4x128x32xf32, #tpu.memory_space<vmem>>, vector<1x1x16xf32>,
        %get3A_430 = arith.constant 1 : i32
        %get3A_431 = arith.index_cast %get3A_430 : i32 to index
        %get3A_432 = arith.index_cast %scan3A_410 : i32 to index
        %get3A_433 = arith.constant 16 : index
        %get3A_434 = tpu.vector_load %arg8[%get3A_431, %get3A_432, %get3A_433] {strides = array<i32>} : memref<4x128x32xf32, #tpu.memory_space<vmem>>, vector<1x1x16xf32>,
        %get3A_435 = vector.shape_cast %get3A_434 : vector<1x1x16xf32> to vector<16xf32>
        %get3A_436 = arith.index_cast %add3A_411 : i32 to index
        %get3A_437 = arith.constant 16 : index
        %get3A_438 = tpu.vector_load %arg7[%get3A_436, %get3A_437] {strides = array<i32>} : memref<328x32xf32, #tpu.memory_space<vmem>>, vector<1x16xf32>,
        %get3A_439 = vector.shape_cast %get3A_438 : vector<1x16xf32> to vector<16xf32>
        %add3A_440 = arith.addf %get3A_435, %get3A_439 : vector<16xf32>
        %swap3A_441 = arith.constant 1 : i32
        %swap3A_442 = arith.index_cast %swap3A_441 : i32 to index
        %swap3A_443 = arith.index_cast %scan3A_410 : i32 to index
        %swap3A_444 = arith.constant 16 : index
        %swap3A_445 = tpu.vector_load %arg9[%swap3A_442, %swap3A_443, %swap3A_444] {strides = array<i32>} : memref<4x128x32xf32, #tpu.memory_space<vmem>>, vector<1x1x16xf32>,
        %swap3A_446 = vector.shape_cast %swap3A_445 : vector<1x1x16xf32> to vector<16xf32>
        %swap3A_447 = vector.shape_cast %add3A_440 : vector<16xf32> to vector<1x1x16xf32>
        tpu.vector_store %arg9[%swap3A_442, %swap3A_443, %swap3A_444], %swap3A_447 {strides = array<i32>} : memref<4x128x32xf32, #tpu.memory_space<vmem>>, vector<1x1x16xf32>,
        %scan3A_448 = arith.constant 0 : i32
        %scan3A_449 = arith.constant 2 : i32
        %scan3A_450 = arith.addi %scan3A_371, %scan3A_449 : i32
        %add3A_451 = arith.addi %rem3A_216, %scan3A_450 : i32
        %get3A_452 = arith.constant 1 : i32
        %get3A_453 = arith.index_cast %get3A_452 : i32 to index
        %get3A_454 = arith.index_cast %scan3A_450 : i32 to index
        %get3A_455 = arith.constant 0 : index
        %get3A_456 = tpu.vector_load %arg8[%get3A_453, %get3A_454, %get3A_455] {strides = array<i32>} : memref<4x128x32xf32, #tpu.memory_space<vmem>>, vector<1x1x16xf32>,
        %get3A_457 = vector.shape_cast %get3A_456 : vector<1x1x16xf32> to vector<16xf32>
        %get3A_458 = arith.index_cast %add3A_451 : i32 to index
        %get3A_459 = arith.constant 0 : index
        %get3A_460 = tpu.vector_load %arg7[%get3A_458, %get3A_459] {strides = array<i32>} : memref<328x32xf32, #tpu.memory_space<vmem>>, vector<1x16xf32>,
        %get3A_461 = vector.shape_cast %get3A_460 : vector<1x16xf32> to vector<16xf32>
        %add3A_462 = arith.addf %get3A_457, %get3A_461 : vector<16xf32>
        %swap3A_463 = arith.constant 1 : i32
        %swap3A_464 = arith.index_cast %swap3A_463 : i32 to index
        %swap3A_465 = arith.index_cast %scan3A_450 : i32 to index
        %swap3A_466 = arith.constant 0 : index
        %swap3A_467 = tpu.vector_load %arg9[%swap3A_464, %swap3A_465, %swap3A_466] {strides = array<i32>} : memref<4x128x32xf32, #tpu.memory_space<vmem>>, vector<1x1x16xf32>,
        %swap3A_468 = vector.shape_cast %swap3A_467 : vector<1x1x16xf32> to vector<16xf32>
        %swap3A_469 = vector.shape_cast %add3A_462 : vector<16xf32> to vector<1x1x16xf32>
        tpu.vector_store %arg9[%swap3A_464, %swap3A_465, %swap3A_466], %swap3A_469 {strides = array<i32>} : memref<4x128x32xf32, #tpu.memory_space<vmem>>, vector<1x1x16xf32>,
        %get3A_470 = arith.constant 1 : i32
        %get3A_471 = arith.index_cast %get3A_470 : i32 to index
        %get3A_472 = arith.index_cast %scan3A_450 : i32 to index
        %get3A_473 = arith.constant 16 : index
        %get3A_474 = tpu.vector_load %arg8[%get3A_471, %get3A_472, %get3A_473] {strides = array<i32>} : memref<4x128x32xf32, #tpu.memory_space<vmem>>, vector<1x1x16xf32>,
        %get3A_475 = vector.shape_cast %get3A_474 : vector<1x1x16xf32> to vector<16xf32>
        %get3A_476 = arith.index_cast %add3A_451 : i32 to index
        %get3A_477 = arith.constant 16 : index
        %get3A_478 = tpu.vector_load %arg7[%get3A_476, %get3A_477] {strides = array<i32>} : memref<328x32xf32, #tpu.memory_space<vmem>>, vector<1x16xf32>,
        %get3A_479 = vector.shape_cast %get3A_478 : vector<1x16xf32> to vector<16xf32>
        %add3A_480 = arith.addf %get3A_475, %get3A_479 : vector<16xf32>
        %swap3A_481 = arith.constant 1 : i32
        %swap3A_482 = arith.index_cast %swap3A_481 : i32 to index
        %swap3A_483 = arith.index_cast %scan3A_450 : i32 to index
        %swap3A_484 = arith.constant 16 : index
        %swap3A_485 = tpu.vector_load %arg9[%swap3A_482, %swap3A_483, %swap3A_484] {strides = array<i32>} : memref<4x128x32xf32, #tpu.memory_space<vmem>>, vector<1x1x16xf32>,
        %swap3A_486 = vector.shape_cast %swap3A_485 : vector<1x1x16xf32> to vector<16xf32>
        %swap3A_487 = vector.shape_cast %add3A_480 : vector<16xf32> to vector<1x1x16xf32>
        tpu.vector_store %arg9[%swap3A_482, %swap3A_483, %swap3A_484], %swap3A_487 {strides = array<i32>} : memref<4x128x32xf32, #tpu.memory_space<vmem>>, vector<1x1x16xf32>,
        %scan3A_488 = arith.constant 0 : i32
        %scan3A_489 = arith.constant 3 : i32
        %scan3A_490 = arith.addi %scan3A_371, %scan3A_489 : i32
        %add3A_491 = arith.addi %rem3A_216, %scan3A_490 : i32
        %get3A_492 = arith.constant 1 : i32
        %get3A_493 = arith.index_cast %get3A_492 : i32 to index
        %get3A_494 = arith.index_cast %scan3A_490 : i32 to index
        %get3A_495 = arith.constant 0 : index
        %get3A_496 = tpu.vector_load %arg8[%get3A_493, %get3A_494, %get3A_495] {strides = array<i32>} : memref<4x128x32xf32, #tpu.memory_space<vmem>>, vector<1x1x16xf32>,
        %get3A_497 = vector.shape_cast %get3A_496 : vector<1x1x16xf32> to vector<16xf32>
        %get3A_498 = arith.index_cast %add3A_491 : i32 to index
        %get3A_499 = arith.constant 0 : index
        %get3A_500 = tpu.vector_load %arg7[%get3A_498, %get3A_499] {strides = array<i32>} : memref<328x32xf32, #tpu.memory_space<vmem>>, vector<1x16xf32>,
        %get3A_501 = vector.shape_cast %get3A_500 : vector<1x16xf32> to vector<16xf32>
        %add3A_502 = arith.addf %get3A_497, %get3A_501 : vector<16xf32>
        %swap3A_503 = arith.constant 1 : i32
        %swap3A_504 = arith.index_cast %swap3A_503 : i32 to index
        %swap3A_505 = arith.index_cast %scan3A_490 : i32 to index
        %swap3A_506 = arith.constant 0 : index
        %swap3A_507 = tpu.vector_load %arg9[%swap3A_504, %swap3A_505, %swap3A_506] {strides = array<i32>} : memref<4x128x32xf32, #tpu.memory_space<vmem>>, vector<1x1x16xf32>,
        %swap3A_508 = vector.shape_cast %swap3A_507 : vector<1x1x16xf32> to vector<16xf32>
        %swap3A_509 = vector.shape_cast %add3A_502 : vector<16xf32> to vector<1x1x16xf32>
        tpu.vector_store %arg9[%swap3A_504, %swap3A_505, %swap3A_506], %swap3A_509 {strides = array<i32>} : memref<4x128x32xf32, #tpu.memory_space<vmem>>, vector<1x1x16xf32>,
        %get3A_510 = arith.constant 1 : i32
        %get3A_511 = arith.index_cast %get3A_510 : i32 to index
        %get3A_512 = arith.index_cast %scan3A_490 : i32 to index
        %get3A_513 = arith.constant 16 : index
        %get3A_514 = tpu.vector_load %arg8[%get3A_511, %get3A_512, %get3A_513] {strides = array<i32>} : memref<4x128x32xf32, #tpu.memory_space<vmem>>, vector<1x1x16xf32>,
        %get3A_515 = vector.shape_cast %get3A_514 : vector<1x1x16xf32> to vector<16xf32>
        %get3A_516 = arith.index_cast %add3A_491 : i32 to index
        %get3A_517 = arith.constant 16 : index
        %get3A_518 = tpu.vector_load %arg7[%get3A_516, %get3A_517] {strides = array<i32>} : memref<328x32xf32, #tpu.memory_space<vmem>>, vector<1x16xf32>,
        %get3A_519 = vector.shape_cast %get3A_518 : vector<1x16xf32> to vector<16xf32>
        %add3A_520 = arith.addf %get3A_515, %get3A_519 : vector<16xf32>
        %swap3A_521 = arith.constant 1 : i32
        %swap3A_522 = arith.index_cast %swap3A_521 : i32 to index
        %swap3A_523 = arith.index_cast %scan3A_490 : i32 to index
        %swap3A_524 = arith.constant 16 : index
        %swap3A_525 = tpu.vector_load %arg9[%swap3A_522, %swap3A_523, %swap3A_524] {strides = array<i32>} : memref<4x128x32xf32, #tpu.memory_space<vmem>>, vector<1x1x16xf32>,
        %swap3A_526 = vector.shape_cast %swap3A_525 : vector<1x1x16xf32> to vector<16xf32>
        %swap3A_527 = vector.shape_cast %add3A_520 : vector<16xf32> to vector<1x1x16xf32>
        tpu.vector_store %arg9[%swap3A_522, %swap3A_523, %swap3A_524], %swap3A_527 {strides = array<i32>} : memref<4x128x32xf32, #tpu.memory_space<vmem>>, vector<1x1x16xf32>,
        %scan3A_528 = arith.constant 0 : i32
        scf.yield %scan3A_528 : i32
      }
      %scan3A_223 = arith.constant 128 : i32
      %mul3A_224 = arith.constant 128 : i32
      %mul3A_225 = arith.muli %add3A_193, %mul3A_224 : i32
      %add3A_226 = arith.addi %mul3A_4, %mul3A_225 : i32
      %dma_start3A_227 = arith.constant 1 : i32
      %dma_start3A_228 = arith.constant 1 : i32
      %dma_start3A_229 = arith.constant 0 : i32
      %dma_start3A_230 = arith.constant 0 : i32
      %dma_start3A_231 = tpu.memref_slice %arg9[%dma_start3A_227, %dma_start3A_229, %dma_start3A_230] : memref<4x128x32xf32, #tpu.memory_space<vmem>> -> memref<1x128x32xf32, #tpu.memory_space<vmem>>
      %dma_start3A_232 = tpu.memref_squeeze %dma_start3A_231 : memref<1x128x32xf32, #tpu.memory_space<vmem>> -> memref<128x32xf32, #tpu.memory_space<vmem>>
      %dma_start3A_233 = arith.constant 0 : i32
      %dma_start3A_234 = tpu.memref_slice %arg5[%add3A_226, %dma_start3A_233] : memref<819200x32xf32, #tpu.memory_space<hbm>> -> memref<128x32xf32, #tpu.memory_space<hbm>>
      %dma_start3A_235 = tpu.memref_slice %arg11[%dma_start3A_228] : memref<4x!tpu.dma_semaphore, #tpu.memory_space<semaphore_mem>> -> memref<1x!tpu.dma_semaphore, #tpu.memory_space<semaphore_mem>>
      %dma_start3A_236 = tpu.memref_squeeze %dma_start3A_235 : memref<1x!tpu.dma_semaphore, #tpu.memory_space<semaphore_mem>> -> memref<!tpu.dma_semaphore, #tpu.memory_space<semaphore_mem>>
      %dma_start3A_237 = arith.constant 0 : i32
      %dma_start3A_238 = tpu.memref_slice %arg5[%add3A_226, %dma_start3A_237] : memref<819200x32xf32, #tpu.memory_space<hbm>> -> memref<128x32xf32, #tpu.memory_space<hbm>>
      %dma_start3A_239 = arith.constant 0 : i32
      %dma_start3A_240 = arith.constant 0 : i32
      %dma_start3A_241 = tpu.memref_slice %arg9[%dma_start3A_227, %dma_start3A_239, %dma_start3A_240] : memref<4x128x32xf32, #tpu.memory_space<vmem>> -> memref<1x128x32xf32, #tpu.memory_space<vmem>>
      %dma_start3A_242 = tpu.memref_squeeze %dma_start3A_241 : memref<1x128x32xf32, #tpu.memory_space<vmem>> -> memref<128x32xf32, #tpu.memory_space<vmem>>
      tpu.enqueue_dma source(%dma_start3A_242 : memref<128x32xf32, #tpu.memory_space<vmem>>) target(%dma_start3A_238 : memref<128x32xf32, #tpu.memory_space<hbm>>) target_semaphore(%dma_start3A_236 : memref<!tpu.dma_semaphore, #tpu.memory_space<semaphore_mem>>)
      %add3A_243 = arith.constant 4 : i32
      %add3A_244 = arith.addi %add3A_193, %add3A_243 : i32
      %lt3A_245 = arith.constant 200 : i32
      %lt3A_246 = arith.cmpi slt, %add3A_244, %lt3A_245 : i32
      %convert_element_type3A_247 = arith.extui %lt3A_246 : i1 to i32
      %cond3A_248 = arith.constant 0 : i32
      %cond3A_249 = arith.cmpi ne, %convert_element_type3A_247, %cond3A_248 : i32
      scf.if %cond3A_249 {
        %add3A_371 = arith.constant 4 : i32
        %add3A_372 = arith.addi %add3A_193, %add3A_371 : i32
        %dma_start3A_373 = arith.constant 1 : i32
        %dma_start3A_374 = arith.constant 1 : i32
        %dma_start3A_375 = arith.constant 0 : i32
        %dma_start3A_376 = arith.constant 0 : i32
        %dma_start3A_377 = tpu.memref_slice %arg8[%dma_start3A_373, %dma_start3A_375, %dma_start3A_376] : memref<4x128x32xf32, #tpu.memory_space<vmem>> -> memref<1x128x32xf32, #tpu.memory_space<vmem>>
        %dma_start3A_378 = tpu.memref_squeeze %dma_start3A_377 : memref<1x128x32xf32, #tpu.memory_space<vmem>> -> memref<128x32xf32, #tpu.memory_space<vmem>>
        %dma_start3A_379 = arith.constant 0 : i32
        %dma_start3A_380 = tpu.memref_slice %arg6[%add3A_372, %dma_start3A_379] : memref<200x128xi32, #tpu.memory_space<vmem>> -> memref<1x128xi32, #tpu.memory_space<vmem>>
        %dma_start3A_381 = tpu.memref_squeeze %dma_start3A_380 : memref<1x128xi32, #tpu.memory_space<vmem>> -> memref<128xi32, #tpu.memory_space<vmem>>
        %dma_start3A_382 = arith.constant 0 : i32
        %dma_start3A_383 = arith.constant 0 : i32
        %dma_start3A_384 = tpu.memref_slice %arg3[%dma_start3A_382, %dma_start3A_383] : memref<1000000x32xf32, #tpu.memory_space<hbm>> -> memref<1000000x32xf32, #tpu.memory_space<hbm>>
        %dma_start3A_385 = tpu.memref_slice %arg10[%dma_start3A_374] : memref<4x!tpu.dma_semaphore, #tpu.memory_space<semaphore_mem>> -> memref<1x!tpu.dma_semaphore, #tpu.memory_space<semaphore_mem>>
        %dma_start3A_386 = tpu.memref_squeeze %dma_start3A_385 : memref<1x!tpu.dma_semaphore, #tpu.memory_space<semaphore_mem>> -> memref<!tpu.dma_semaphore, #tpu.memory_space<semaphore_mem>>
        tpu.enqueue_indirect_dma source(%dma_start3A_384 : memref<1000000x32xf32, #tpu.memory_space<hbm>>) target(%dma_start3A_378 : memref<128x32xf32, #tpu.memory_space<vmem>>) offsets(%dma_start3A_381 : memref<128xi32, #tpu.memory_space<vmem>>) semaphore(%dma_start3A_386 : memref<!tpu.dma_semaphore, #tpu.memory_space<semaphore_mem>>)
      } else {
      }
      %mul3A_250 = arith.constant 4 : i32
      %mul3A_251 = arith.muli %scan3A_133, %mul3A_250 : i32
      %add3A_252 = arith.constant 2 : i32
      %add3A_253 = arith.addi %mul3A_251, %add3A_252 : i32
      %dma_wait3A_254 = arith.constant 2 : i32
      %dma_wait3A_255 = arith.constant 2 : i32
      %dma_wait3A_256 = arith.constant 0 : i32
      %dma_wait3A_257 = arith.constant 0 : i32
      %dma_wait3A_258 = tpu.memref_slice %arg8[%dma_wait3A_254, %dma_wait3A_256, %dma_wait3A_257] : memref<4x128x32xf32, #tpu.memory_space<vmem>> -> memref<1x128x32xf32, #tpu.memory_space<vmem>>
      %dma_wait3A_259 = tpu.memref_squeeze %dma_wait3A_258 : memref<1x128x32xf32, #tpu.memory_space<vmem>> -> memref<128x32xf32, #tpu.memory_space<vmem>>
      %dma_wait3A_260 = arith.constant 0 : i32
      %dma_wait3A_261 = tpu.memref_slice %arg6[%add3A_253, %dma_wait3A_260] : memref<200x128xi32, #tpu.memory_space<vmem>> -> memref<1x128xi32, #tpu.memory_space<vmem>>
      %dma_wait3A_262 = tpu.memref_squeeze %dma_wait3A_261 : memref<1x128xi32, #tpu.memory_space<vmem>> -> memref<128xi32, #tpu.memory_space<vmem>>
      %dma_wait3A_263 = arith.constant 0 : i32
      %dma_wait3A_264 = arith.constant 0 : i32
      %dma_wait3A_265 = tpu.memref_slice %arg3[%dma_wait3A_263, %dma_wait3A_264] : memref<1000000x32xf32, #tpu.memory_space<hbm>> -> memref<1000000x32xf32, #tpu.memory_space<hbm>>
      %dma_wait3A_266 = tpu.memref_slice %arg10[%dma_wait3A_255] : memref<4x!tpu.dma_semaphore, #tpu.memory_space<semaphore_mem>> -> memref<1x!tpu.dma_semaphore, #tpu.memory_space<semaphore_mem>>
      %dma_wait3A_267 = tpu.memref_squeeze %dma_wait3A_266 : memref<1x!tpu.dma_semaphore, #tpu.memory_space<semaphore_mem>> -> memref<!tpu.dma_semaphore, #tpu.memory_space<semaphore_mem>>
      tpu.wait_indirect_dma semaphore(%dma_wait3A_267 : memref<!tpu.dma_semaphore, #tpu.memory_space<semaphore_mem>>) src(%dma_wait3A_265 : memref<1000000x32xf32, #tpu.memory_space<hbm>>) dst(%dma_wait3A_259 : memref<128x32xf32, #tpu.memory_space<vmem>>)
      %gt3A_268 = arith.constant 0 : i32
      %gt3A_269 = arith.cmpi sgt, %scan3A_133, %gt3A_268 : i32
      %convert_element_type3A_270 = arith.extui %gt3A_269 : i1 to i32
      %cond3A_271 = arith.constant 0 : i32
      %cond3A_272 = arith.cmpi ne, %convert_element_type3A_270, %cond3A_271 : i32
      scf.if %cond3A_272 {
        %dma_wait3A_371 = arith.constant 2 : i32
        %dma_wait3A_372 = arith.constant 2 : i32
        %dma_wait3A_373 = arith.constant 0 : i32
        %dma_wait3A_374 = arith.constant 0 : i32
        %dma_wait3A_375 = tpu.memref_slice %arg9[%dma_wait3A_371, %dma_wait3A_373, %dma_wait3A_374] : memref<4x128x32xf32, #tpu.memory_space<vmem>> -> memref<1x128x32xf32, #tpu.memory_space<vmem>>
        %dma_wait3A_376 = tpu.memref_squeeze %dma_wait3A_375 : memref<1x128x32xf32, #tpu.memory_space<vmem>> -> memref<128x32xf32, #tpu.memory_space<vmem>>
        %dma_wait3A_377 = arith.constant 0 : i32
        %dma_wait3A_378 = tpu.memref_slice %arg5[%mul3A_4, %dma_wait3A_377] : memref<819200x32xf32, #tpu.memory_space<hbm>> -> memref<128x32xf32, #tpu.memory_space<hbm>>
        %dma_wait3A_379 = tpu.memref_slice %arg11[%dma_wait3A_372] : memref<4x!tpu.dma_semaphore, #tpu.memory_space<semaphore_mem>> -> memref<1x!tpu.dma_semaphore, #tpu.memory_space<semaphore_mem>>
        %dma_wait3A_380 = tpu.memref_squeeze %dma_wait3A_379 : memref<1x!tpu.dma_semaphore, #tpu.memory_space<semaphore_mem>> -> memref<!tpu.dma_semaphore, #tpu.memory_space<semaphore_mem>>
        %dma_wait3A_381 = arith.constant 0 : i32
        %dma_wait3A_382 = tpu.memref_slice %arg5[%mul3A_4, %dma_wait3A_381] : memref<819200x32xf32, #tpu.memory_space<hbm>> -> memref<128x32xf32, #tpu.memory_space<hbm>>
        %dma_wait3A_383 = arith.constant 0 : i32
        %dma_wait3A_384 = arith.constant 0 : i32
        %dma_wait3A_385 = tpu.memref_slice %arg9[%dma_wait3A_371, %dma_wait3A_383, %dma_wait3A_384] : memref<4x128x32xf32, #tpu.memory_space<vmem>> -> memref<1x128x32xf32, #tpu.memory_space<vmem>>
        %dma_wait3A_386 = tpu.memref_squeeze %dma_wait3A_385 : memref<1x128x32xf32, #tpu.memory_space<vmem>> -> memref<128x32xf32, #tpu.memory_space<vmem>>
        tpu.wait_dma2 semaphore(%dma_wait3A_380 : memref<!tpu.dma_semaphore, #tpu.memory_space<semaphore_mem>>) src(%dma_wait3A_386 : memref<128x32xf32, #tpu.memory_space<vmem>>) dst(%dma_wait3A_382 : memref<128x32xf32, #tpu.memory_space<hbm>>)
      } else {
      }
      %mul3A_273 = arith.constant 128 : i32
      %mul3A_274 = arith.muli %add3A_253, %mul3A_273 : i32
      %rem3A_275 = arith.constant 200 : i32
      %rem3A_276 = arith.remsi %mul3A_274, %rem3A_275 : i32
      %scan3A_277 = arith.constant 0 : i32
      %scan3A_278 = arith.constant 0 : i32
      %scan3A_279 = arith.constant 128 : i32
      %scan3A_280 = arith.addi %scan3A_278, %scan3A_279 : i32
      %scan3A_281 = arith.constant 4 : i32
      %scan3A_282 = scf.for %scan3A_371 = %scan3A_278 to %scan3A_280 step %scan3A_281 iter_args(%scan3A_372 = %scan3A_277) -> (i32)  : i32 {
        %add3A_373 = arith.addi %rem3A_276, %scan3A_371 : i32
        %get3A = arith.constant 2 : i32
        %get3A_374 = arith.index_cast %get3A : i32 to index
        %get3A_375 = arith.index_cast %scan3A_371 : i32 to index
        %get3A_376 = arith.constant 0 : index
        %get3A_377 = tpu.vector_load %arg8[%get3A_374, %get3A_375, %get3A_376] {strides = array<i32>} : memref<4x128x32xf32, #tpu.memory_space<vmem>>, vector<1x1x16xf32>,
        %get3A_378 = vector.shape_cast %get3A_377 : vector<1x1x16xf32> to vector<16xf32>
        %get3A_379 = arith.index_cast %add3A_373 : i32 to index
        %get3A_380 = arith.constant 0 : index
        %get3A_381 = tpu.vector_load %arg7[%get3A_379, %get3A_380] {strides = array<i32>} : memref<328x32xf32, #tpu.memory_space<vmem>>, vector<1x16xf32>,
        %get3A_382 = vector.shape_cast %get3A_381 : vector<1x16xf32> to vector<16xf32>
        %add3A_383 = arith.addf %get3A_378, %get3A_382 : vector<16xf32>
        %swap3A = arith.constant 2 : i32
        %swap3A_384 = arith.index_cast %swap3A : i32 to index
        %swap3A_385 = arith.index_cast %scan3A_371 : i32 to index
        %swap3A_386 = arith.constant 0 : index
        %swap3A_387 = tpu.vector_load %arg9[%swap3A_384, %swap3A_385, %swap3A_386] {strides = array<i32>} : memref<4x128x32xf32, #tpu.memory_space<vmem>>, vector<1x1x16xf32>,
        %swap3A_388 = vector.shape_cast %swap3A_387 : vector<1x1x16xf32> to vector<16xf32>
        %swap3A_389 = vector.shape_cast %add3A_383 : vector<16xf32> to vector<1x1x16xf32>
        tpu.vector_store %arg9[%swap3A_384, %swap3A_385, %swap3A_386], %swap3A_389 {strides = array<i32>} : memref<4x128x32xf32, #tpu.memory_space<vmem>>, vector<1x1x16xf32>,
        %get3A_390 = arith.constant 2 : i32
        %get3A_391 = arith.index_cast %get3A_390 : i32 to index
        %get3A_392 = arith.index_cast %scan3A_371 : i32 to index
        %get3A_393 = arith.constant 16 : index
        %get3A_394 = tpu.vector_load %arg8[%get3A_391, %get3A_392, %get3A_393] {strides = array<i32>} : memref<4x128x32xf32, #tpu.memory_space<vmem>>, vector<1x1x16xf32>,
        %get3A_395 = vector.shape_cast %get3A_394 : vector<1x1x16xf32> to vector<16xf32>
        %get3A_396 = arith.index_cast %add3A_373 : i32 to index
        %get3A_397 = arith.constant 16 : index
        %get3A_398 = tpu.vector_load %arg7[%get3A_396, %get3A_397] {strides = array<i32>} : memref<328x32xf32, #tpu.memory_space<vmem>>, vector<1x16xf32>,
        %get3A_399 = vector.shape_cast %get3A_398 : vector<1x16xf32> to vector<16xf32>
        %add3A_400 = arith.addf %get3A_395, %get3A_399 : vector<16xf32>
        %swap3A_401 = arith.constant 2 : i32
        %swap3A_402 = arith.index_cast %swap3A_401 : i32 to index
        %swap3A_403 = arith.index_cast %scan3A_371 : i32 to index
        %swap3A_404 = arith.constant 16 : index
        %swap3A_405 = tpu.vector_load %arg9[%swap3A_402, %swap3A_403, %swap3A_404] {strides = array<i32>} : memref<4x128x32xf32, #tpu.memory_space<vmem>>, vector<1x1x16xf32>,
        %swap3A_406 = vector.shape_cast %swap3A_405 : vector<1x1x16xf32> to vector<16xf32>
        %swap3A_407 = vector.shape_cast %add3A_400 : vector<16xf32> to vector<1x1x16xf32>
        tpu.vector_store %arg9[%swap3A_402, %swap3A_403, %swap3A_404], %swap3A_407 {strides = array<i32>} : memref<4x128x32xf32, #tpu.memory_space<vmem>>, vector<1x1x16xf32>,
        %scan3A_408 = arith.constant 0 : i32
        %scan3A_409 = arith.constant 1 : i32
        %scan3A_410 = arith.addi %scan3A_371, %scan3A_409 : i32
        %add3A_411 = arith.addi %rem3A_276, %scan3A_410 : i32
        %get3A_412 = arith.constant 2 : i32
        %get3A_413 = arith.index_cast %get3A_412 : i32 to index
        %get3A_414 = arith.index_cast %scan3A_410 : i32 to index
        %get3A_415 = arith.constant 0 : index
        %get3A_416 = tpu.vector_load %arg8[%get3A_413, %get3A_414, %get3A_415] {strides = array<i32>} : memref<4x128x32xf32, #tpu.memory_space<vmem>>, vector<1x1x16xf32>,
        %get3A_417 = vector.shape_cast %get3A_416 : vector<1x1x16xf32> to vector<16xf32>
        %get3A_418 = arith.index_cast %add3A_411 : i32 to index
        %get3A_419 = arith.constant 0 : index
        %get3A_420 = tpu.vector_load %arg7[%get3A_418, %get3A_419] {strides = array<i32>} : memref<328x32xf32, #tpu.memory_space<vmem>>, vector<1x16xf32>,
        %get3A_421 = vector.shape_cast %get3A_420 : vector<1x16xf32> to vector<16xf32>
        %add3A_422 = arith.addf %get3A_417, %get3A_421 : vector<16xf32>
        %swap3A_423 = arith.constant 2 : i32
        %swap3A_424 = arith.index_cast %swap3A_423 : i32 to index
        %swap3A_425 = arith.index_cast %scan3A_410 : i32 to index
        %swap3A_426 = arith.constant 0 : index
        %swap3A_427 = tpu.vector_load %arg9[%swap3A_424, %swap3A_425, %swap3A_426] {strides = array<i32>} : memref<4x128x32xf32, #tpu.memory_space<vmem>>, vector<1x1x16xf32>,
        %swap3A_428 = vector.shape_cast %swap3A_427 : vector<1x1x16xf32> to vector<16xf32>
        %swap3A_429 = vector.shape_cast %add3A_422 : vector<16xf32> to vector<1x1x16xf32>
        tpu.vector_store %arg9[%swap3A_424, %swap3A_425, %swap3A_426], %swap3A_429 {strides = array<i32>} : memref<4x128x32xf32, #tpu.memory_space<vmem>>, vector<1x1x16xf32>,
        %get3A_430 = arith.constant 2 : i32
        %get3A_431 = arith.index_cast %get3A_430 : i32 to index
        %get3A_432 = arith.index_cast %scan3A_410 : i32 to index
        %get3A_433 = arith.constant 16 : index
        %get3A_434 = tpu.vector_load %arg8[%get3A_431, %get3A_432, %get3A_433] {strides = array<i32>} : memref<4x128x32xf32, #tpu.memory_space<vmem>>, vector<1x1x16xf32>,
        %get3A_435 = vector.shape_cast %get3A_434 : vector<1x1x16xf32> to vector<16xf32>
        %get3A_436 = arith.index_cast %add3A_411 : i32 to index
        %get3A_437 = arith.constant 16 : index
        %get3A_438 = tpu.vector_load %arg7[%get3A_436, %get3A_437] {strides = array<i32>} : memref<328x32xf32, #tpu.memory_space<vmem>>, vector<1x16xf32>,
        %get3A_439 = vector.shape_cast %get3A_438 : vector<1x16xf32> to vector<16xf32>
        %add3A_440 = arith.addf %get3A_435, %get3A_439 : vector<16xf32>
        %swap3A_441 = arith.constant 2 : i32
        %swap3A_442 = arith.index_cast %swap3A_441 : i32 to index
        %swap3A_443 = arith.index_cast %scan3A_410 : i32 to index
        %swap3A_444 = arith.constant 16 : index
        %swap3A_445 = tpu.vector_load %arg9[%swap3A_442, %swap3A_443, %swap3A_444] {strides = array<i32>} : memref<4x128x32xf32, #tpu.memory_space<vmem>>, vector<1x1x16xf32>,
        %swap3A_446 = vector.shape_cast %swap3A_445 : vector<1x1x16xf32> to vector<16xf32>
        %swap3A_447 = vector.shape_cast %add3A_440 : vector<16xf32> to vector<1x1x16xf32>
        tpu.vector_store %arg9[%swap3A_442, %swap3A_443, %swap3A_444], %swap3A_447 {strides = array<i32>} : memref<4x128x32xf32, #tpu.memory_space<vmem>>, vector<1x1x16xf32>,
        %scan3A_448 = arith.constant 0 : i32
        %scan3A_449 = arith.constant 2 : i32
        %scan3A_450 = arith.addi %scan3A_371, %scan3A_449 : i32
        %add3A_451 = arith.addi %rem3A_276, %scan3A_450 : i32
        %get3A_452 = arith.constant 2 : i32
        %get3A_453 = arith.index_cast %get3A_452 : i32 to index
        %get3A_454 = arith.index_cast %scan3A_450 : i32 to index
        %get3A_455 = arith.constant 0 : index
        %get3A_456 = tpu.vector_load %arg8[%get3A_453, %get3A_454, %get3A_455] {strides = array<i32>} : memref<4x128x32xf32, #tpu.memory_space<vmem>>, vector<1x1x16xf32>,
        %get3A_457 = vector.shape_cast %get3A_456 : vector<1x1x16xf32> to vector<16xf32>
        %get3A_458 = arith.index_cast %add3A_451 : i32 to index
        %get3A_459 = arith.constant 0 : index
        %get3A_460 = tpu.vector_load %arg7[%get3A_458, %get3A_459] {strides = array<i32>} : memref<328x32xf32, #tpu.memory_space<vmem>>, vector<1x16xf32>,
        %get3A_461 = vector.shape_cast %get3A_460 : vector<1x16xf32> to vector<16xf32>
        %add3A_462 = arith.addf %get3A_457, %get3A_461 : vector<16xf32>
        %swap3A_463 = arith.constant 2 : i32
        %swap3A_464 = arith.index_cast %swap3A_463 : i32 to index
        %swap3A_465 = arith.index_cast %scan3A_450 : i32 to index
        %swap3A_466 = arith.constant 0 : index
        %swap3A_467 = tpu.vector_load %arg9[%swap3A_464, %swap3A_465, %swap3A_466] {strides = array<i32>} : memref<4x128x32xf32, #tpu.memory_space<vmem>>, vector<1x1x16xf32>,
        %swap3A_468 = vector.shape_cast %swap3A_467 : vector<1x1x16xf32> to vector<16xf32>
        %swap3A_469 = vector.shape_cast %add3A_462 : vector<16xf32> to vector<1x1x16xf32>
        tpu.vector_store %arg9[%swap3A_464, %swap3A_465, %swap3A_466], %swap3A_469 {strides = array<i32>} : memref<4x128x32xf32, #tpu.memory_space<vmem>>, vector<1x1x16xf32>,
        %get3A_470 = arith.constant 2 : i32
        %get3A_471 = arith.index_cast %get3A_470 : i32 to index
        %get3A_472 = arith.index_cast %scan3A_450 : i32 to index
        %get3A_473 = arith.constant 16 : index
        %get3A_474 = tpu.vector_load %arg8[%get3A_471, %get3A_472, %get3A_473] {strides = array<i32>} : memref<4x128x32xf32, #tpu.memory_space<vmem>>, vector<1x1x16xf32>,
        %get3A_475 = vector.shape_cast %get3A_474 : vector<1x1x16xf32> to vector<16xf32>
        %get3A_476 = arith.index_cast %add3A_451 : i32 to index
        %get3A_477 = arith.constant 16 : index
        %get3A_478 = tpu.vector_load %arg7[%get3A_476, %get3A_477] {strides = array<i32>} : memref<328x32xf32, #tpu.memory_space<vmem>>, vector<1x16xf32>,
        %get3A_479 = vector.shape_cast %get3A_478 : vector<1x16xf32> to vector<16xf32>
        %add3A_480 = arith.addf %get3A_475, %get3A_479 : vector<16xf32>
        %swap3A_481 = arith.constant 2 : i32
        %swap3A_482 = arith.index_cast %swap3A_481 : i32 to index
        %swap3A_483 = arith.index_cast %scan3A_450 : i32 to index
        %swap3A_484 = arith.constant 16 : index
        %swap3A_485 = tpu.vector_load %arg9[%swap3A_482, %swap3A_483, %swap3A_484] {strides = array<i32>} : memref<4x128x32xf32, #tpu.memory_space<vmem>>, vector<1x1x16xf32>,
        %swap3A_486 = vector.shape_cast %swap3A_485 : vector<1x1x16xf32> to vector<16xf32>
        %swap3A_487 = vector.shape_cast %add3A_480 : vector<16xf32> to vector<1x1x16xf32>
        tpu.vector_store %arg9[%swap3A_482, %swap3A_483, %swap3A_484], %swap3A_487 {strides = array<i32>} : memref<4x128x32xf32, #tpu.memory_space<vmem>>, vector<1x1x16xf32>,
        %scan3A_488 = arith.constant 0 : i32
        %scan3A_489 = arith.constant 3 : i32
        %scan3A_490 = arith.addi %scan3A_371, %scan3A_489 : i32
        %add3A_491 = arith.addi %rem3A_276, %scan3A_490 : i32
        %get3A_492 = arith.constant 2 : i32
        %get3A_493 = arith.index_cast %get3A_492 : i32 to index
        %get3A_494 = arith.index_cast %scan3A_490 : i32 to index
        %get3A_495 = arith.constant 0 : index
        %get3A_496 = tpu.vector_load %arg8[%get3A_493, %get3A_494, %get3A_495] {strides = array<i32>} : memref<4x128x32xf32, #tpu.memory_space<vmem>>, vector<1x1x16xf32>,
        %get3A_497 = vector.shape_cast %get3A_496 : vector<1x1x16xf32> to vector<16xf32>
        %get3A_498 = arith.index_cast %add3A_491 : i32 to index
        %get3A_499 = arith.constant 0 : index
        %get3A_500 = tpu.vector_load %arg7[%get3A_498, %get3A_499] {strides = array<i32>} : memref<328x32xf32, #tpu.memory_space<vmem>>, vector<1x16xf32>,
        %get3A_501 = vector.shape_cast %get3A_500 : vector<1x16xf32> to vector<16xf32>
        %add3A_502 = arith.addf %get3A_497, %get3A_501 : vector<16xf32>
        %swap3A_503 = arith.constant 2 : i32
        %swap3A_504 = arith.index_cast %swap3A_503 : i32 to index
        %swap3A_505 = arith.index_cast %scan3A_490 : i32 to index
        %swap3A_506 = arith.constant 0 : index
        %swap3A_507 = tpu.vector_load %arg9[%swap3A_504, %swap3A_505, %swap3A_506] {strides = array<i32>} : memref<4x128x32xf32, #tpu.memory_space<vmem>>, vector<1x1x16xf32>,
        %swap3A_508 = vector.shape_cast %swap3A_507 : vector<1x1x16xf32> to vector<16xf32>
        %swap3A_509 = vector.shape_cast %add3A_502 : vector<16xf32> to vector<1x1x16xf32>
        tpu.vector_store %arg9[%swap3A_504, %swap3A_505, %swap3A_506], %swap3A_509 {strides = array<i32>} : memref<4x128x32xf32, #tpu.memory_space<vmem>>, vector<1x1x16xf32>,
        %get3A_510 = arith.constant 2 : i32
        %get3A_511 = arith.index_cast %get3A_510 : i32 to index
        %get3A_512 = arith.index_cast %scan3A_490 : i32 to index
        %get3A_513 = arith.constant 16 : index
        %get3A_514 = tpu.vector_load %arg8[%get3A_511, %get3A_512, %get3A_513] {strides = array<i32>} : memref<4x128x32xf32, #tpu.memory_space<vmem>>, vector<1x1x16xf32>,
        %get3A_515 = vector.shape_cast %get3A_514 : vector<1x1x16xf32> to vector<16xf32>
        %get3A_516 = arith.index_cast %add3A_491 : i32 to index
        %get3A_517 = arith.constant 16 : index
        %get3A_518 = tpu.vector_load %arg7[%get3A_516, %get3A_517] {strides = array<i32>} : memref<328x32xf32, #tpu.memory_space<vmem>>, vector<1x16xf32>,
        %get3A_519 = vector.shape_cast %get3A_518 : vector<1x16xf32> to vector<16xf32>
        %add3A_520 = arith.addf %get3A_515, %get3A_519 : vector<16xf32>
        %swap3A_521 = arith.constant 2 : i32
        %swap3A_522 = arith.index_cast %swap3A_521 : i32 to index
        %swap3A_523 = arith.index_cast %scan3A_490 : i32 to index
        %swap3A_524 = arith.constant 16 : index
        %swap3A_525 = tpu.vector_load %arg9[%swap3A_522, %swap3A_523, %swap3A_524] {strides = array<i32>} : memref<4x128x32xf32, #tpu.memory_space<vmem>>, vector<1x1x16xf32>,
        %swap3A_526 = vector.shape_cast %swap3A_525 : vector<1x1x16xf32> to vector<16xf32>
        %swap3A_527 = vector.shape_cast %add3A_520 : vector<16xf32> to vector<1x1x16xf32>
        tpu.vector_store %arg9[%swap3A_522, %swap3A_523, %swap3A_524], %swap3A_527 {strides = array<i32>} : memref<4x128x32xf32, #tpu.memory_space<vmem>>, vector<1x1x16xf32>,
        %scan3A_528 = arith.constant 0 : i32
        scf.yield %scan3A_528 : i32
      }
      %scan3A_283 = arith.constant 128 : i32
      %mul3A_284 = arith.constant 128 : i32
      %mul3A_285 = arith.muli %add3A_253, %mul3A_284 : i32
      %add3A_286 = arith.addi %mul3A_4, %mul3A_285 : i32
      %dma_start3A_287 = arith.constant 2 : i32
      %dma_start3A_288 = arith.constant 2 : i32
      %dma_start3A_289 = arith.constant 0 : i32
      %dma_start3A_290 = arith.constant 0 : i32
      %dma_start3A_291 = tpu.memref_slice %arg9[%dma_start3A_287, %dma_start3A_289, %dma_start3A_290] : memref<4x128x32xf32, #tpu.memory_space<vmem>> -> memref<1x128x32xf32, #tpu.memory_space<vmem>>
      %dma_start3A_292 = tpu.memref_squeeze %dma_start3A_291 : memref<1x128x32xf32, #tpu.memory_space<vmem>> -> memref<128x32xf32, #tpu.memory_space<vmem>>
      %dma_start3A_293 = arith.constant 0 : i32
      %dma_start3A_294 = tpu.memref_slice %arg5[%add3A_286, %dma_start3A_293] : memref<819200x32xf32, #tpu.memory_space<hbm>> -> memref<128x32xf32, #tpu.memory_space<hbm>>
      %dma_start3A_295 = tpu.memref_slice %arg11[%dma_start3A_288] : memref<4x!tpu.dma_semaphore, #tpu.memory_space<semaphore_mem>> -> memref<1x!tpu.dma_semaphore, #tpu.memory_space<semaphore_mem>>
      %dma_start3A_296 = tpu.memref_squeeze %dma_start3A_295 : memref<1x!tpu.dma_semaphore, #tpu.memory_space<semaphore_mem>> -> memref<!tpu.dma_semaphore, #tpu.memory_space<semaphore_mem>>
      %dma_start3A_297 = arith.constant 0 : i32
      %dma_start3A_298 = tpu.memref_slice %arg5[%add3A_286, %dma_start3A_297] : memref<819200x32xf32, #tpu.memory_space<hbm>> -> memref<128x32xf32, #tpu.memory_space<hbm>>
      %dma_start3A_299 = arith.constant 0 : i32
      %dma_start3A_300 = arith.constant 0 : i32
      %dma_start3A_301 = tpu.memref_slice %arg9[%dma_start3A_287, %dma_start3A_299, %dma_start3A_300] : memref<4x128x32xf32, #tpu.memory_space<vmem>> -> memref<1x128x32xf32, #tpu.memory_space<vmem>>
      %dma_start3A_302 = tpu.memref_squeeze %dma_start3A_301 : memref<1x128x32xf32, #tpu.memory_space<vmem>> -> memref<128x32xf32, #tpu.memory_space<vmem>>
      tpu.enqueue_dma source(%dma_start3A_302 : memref<128x32xf32, #tpu.memory_space<vmem>>) target(%dma_start3A_298 : memref<128x32xf32, #tpu.memory_space<hbm>>) target_semaphore(%dma_start3A_296 : memref<!tpu.dma_semaphore, #tpu.memory_space<semaphore_mem>>)
      %add3A_303 = arith.constant 4 : i32
      %add3A_304 = arith.addi %add3A_253, %add3A_303 : i32
      %lt3A_305 = arith.constant 200 : i32
      %lt3A_306 = arith.cmpi slt, %add3A_304, %lt3A_305 : i32
      %convert_element_type3A_307 = arith.extui %lt3A_306 : i1 to i32
      %cond3A_308 = arith.constant 0 : i32
      %cond3A_309 = arith.cmpi ne, %convert_element_type3A_307, %cond3A_308 : i32
      scf.if %cond3A_309 {
        %add3A_371 = arith.constant 4 : i32
        %add3A_372 = arith.addi %add3A_253, %add3A_371 : i32
        %dma_start3A_373 = arith.constant 2 : i32
        %dma_start3A_374 = arith.constant 2 : i32
        %dma_start3A_375 = arith.constant 0 : i32
        %dma_start3A_376 = arith.constant 0 : i32
        %dma_start3A_377 = tpu.memref_slice %arg8[%dma_start3A_373, %dma_start3A_375, %dma_start3A_376] : memref<4x128x32xf32, #tpu.memory_space<vmem>> -> memref<1x128x32xf32, #tpu.memory_space<vmem>>
        %dma_start3A_378 = tpu.memref_squeeze %dma_start3A_377 : memref<1x128x32xf32, #tpu.memory_space<vmem>> -> memref<128x32xf32, #tpu.memory_space<vmem>>
        %dma_start3A_379 = arith.constant 0 : i32
        %dma_start3A_380 = tpu.memref_slice %arg6[%add3A_372, %dma_start3A_379] : memref<200x128xi32, #tpu.memory_space<vmem>> -> memref<1x128xi32, #tpu.memory_space<vmem>>
        %dma_start3A_381 = tpu.memref_squeeze %dma_start3A_380 : memref<1x128xi32, #tpu.memory_space<vmem>> -> memref<128xi32, #tpu.memory_space<vmem>>
        %dma_start3A_382 = arith.constant 0 : i32
        %dma_start3A_383 = arith.constant 0 : i32
        %dma_start3A_384 = tpu.memref_slice %arg3[%dma_start3A_382, %dma_start3A_383] : memref<1000000x32xf32, #tpu.memory_space<hbm>> -> memref<1000000x32xf32, #tpu.memory_space<hbm>>
        %dma_start3A_385 = tpu.memref_slice %arg10[%dma_start3A_374] : memref<4x!tpu.dma_semaphore, #tpu.memory_space<semaphore_mem>> -> memref<1x!tpu.dma_semaphore, #tpu.memory_space<semaphore_mem>>
        %dma_start3A_386 = tpu.memref_squeeze %dma_start3A_385 : memref<1x!tpu.dma_semaphore, #tpu.memory_space<semaphore_mem>> -> memref<!tpu.dma_semaphore, #tpu.memory_space<semaphore_mem>>
        tpu.enqueue_indirect_dma source(%dma_start3A_384 : memref<1000000x32xf32, #tpu.memory_space<hbm>>) target(%dma_start3A_378 : memref<128x32xf32, #tpu.memory_space<vmem>>) offsets(%dma_start3A_381 : memref<128xi32, #tpu.memory_space<vmem>>) semaphore(%dma_start3A_386 : memref<!tpu.dma_semaphore, #tpu.memory_space<semaphore_mem>>)
      } else {
      }
      %mul3A_310 = arith.constant 4 : i32
      %mul3A_311 = arith.muli %scan3A_133, %mul3A_310 : i32
      %add3A_312 = arith.constant 3 : i32
      %add3A_313 = arith.addi %mul3A_311, %add3A_312 : i32
      %dma_wait3A_314 = arith.constant 3 : i32
      %dma_wait3A_315 = arith.constant 3 : i32
      %dma_wait3A_316 = arith.constant 0 : i32
      %dma_wait3A_317 = arith.constant 0 : i32
      %dma_wait3A_318 = tpu.memref_slice %arg8[%dma_wait3A_314, %dma_wait3A_316, %dma_wait3A_317] : memref<4x128x32xf32, #tpu.memory_space<vmem>> -> memref<1x128x32xf32, #tpu.memory_space<vmem>>
      %dma_wait3A_319 = tpu.memref_squeeze %dma_wait3A_318 : memref<1x128x32xf32, #tpu.memory_space<vmem>> -> memref<128x32xf32, #tpu.memory_space<vmem>>
      %dma_wait3A_320 = arith.constant 0 : i32
      %dma_wait3A_321 = tpu.memref_slice %arg6[%add3A_313, %dma_wait3A_320] : memref<200x128xi32, #tpu.memory_space<vmem>> -> memref<1x128xi32, #tpu.memory_space<vmem>>
      %dma_wait3A_322 = tpu.memref_squeeze %dma_wait3A_321 : memref<1x128xi32, #tpu.memory_space<vmem>> -> memref<128xi32, #tpu.memory_space<vmem>>
      %dma_wait3A_323 = arith.constant 0 : i32
      %dma_wait3A_324 = arith.constant 0 : i32
      %dma_wait3A_325 = tpu.memref_slice %arg3[%dma_wait3A_323, %dma_wait3A_324] : memref<1000000x32xf32, #tpu.memory_space<hbm>> -> memref<1000000x32xf32, #tpu.memory_space<hbm>>
      %dma_wait3A_326 = tpu.memref_slice %arg10[%dma_wait3A_315] : memref<4x!tpu.dma_semaphore, #tpu.memory_space<semaphore_mem>> -> memref<1x!tpu.dma_semaphore, #tpu.memory_space<semaphore_mem>>
      %dma_wait3A_327 = tpu.memref_squeeze %dma_wait3A_326 : memref<1x!tpu.dma_semaphore, #tpu.memory_space<semaphore_mem>> -> memref<!tpu.dma_semaphore, #tpu.memory_space<semaphore_mem>>
      tpu.wait_indirect_dma semaphore(%dma_wait3A_327 : memref<!tpu.dma_semaphore, #tpu.memory_space<semaphore_mem>>) src(%dma_wait3A_325 : memref<1000000x32xf32, #tpu.memory_space<hbm>>) dst(%dma_wait3A_319 : memref<128x32xf32, #tpu.memory_space<vmem>>)
      %gt3A_328 = arith.constant 0 : i32
      %gt3A_329 = arith.cmpi sgt, %scan3A_133, %gt3A_328 : i32
      %convert_element_type3A_330 = arith.extui %gt3A_329 : i1 to i32
      %cond3A_331 = arith.constant 0 : i32
      %cond3A_332 = arith.cmpi ne, %convert_element_type3A_330, %cond3A_331 : i32
      scf.if %cond3A_332 {
        %dma_wait3A_371 = arith.constant 3 : i32
        %dma_wait3A_372 = arith.constant 3 : i32
        %dma_wait3A_373 = arith.constant 0 : i32
        %dma_wait3A_374 = arith.constant 0 : i32
        %dma_wait3A_375 = tpu.memref_slice %arg9[%dma_wait3A_371, %dma_wait3A_373, %dma_wait3A_374] : memref<4x128x32xf32, #tpu.memory_space<vmem>> -> memref<1x128x32xf32, #tpu.memory_space<vmem>>
        %dma_wait3A_376 = tpu.memref_squeeze %dma_wait3A_375 : memref<1x128x32xf32, #tpu.memory_space<vmem>> -> memref<128x32xf32, #tpu.memory_space<vmem>>
        %dma_wait3A_377 = arith.constant 0 : i32
        %dma_wait3A_378 = tpu.memref_slice %arg5[%mul3A_4, %dma_wait3A_377] : memref<819200x32xf32, #tpu.memory_space<hbm>> -> memref<128x32xf32, #tpu.memory_space<hbm>>
        %dma_wait3A_379 = tpu.memref_slice %arg11[%dma_wait3A_372] : memref<4x!tpu.dma_semaphore, #tpu.memory_space<semaphore_mem>> -> memref<1x!tpu.dma_semaphore, #tpu.memory_space<semaphore_mem>>
        %dma_wait3A_380 = tpu.memref_squeeze %dma_wait3A_379 : memref<1x!tpu.dma_semaphore, #tpu.memory_space<semaphore_mem>> -> memref<!tpu.dma_semaphore, #tpu.memory_space<semaphore_mem>>
        %dma_wait3A_381 = arith.constant 0 : i32
        %dma_wait3A_382 = tpu.memref_slice %arg5[%mul3A_4, %dma_wait3A_381] : memref<819200x32xf32, #tpu.memory_space<hbm>> -> memref<128x32xf32, #tpu.memory_space<hbm>>
        %dma_wait3A_383 = arith.constant 0 : i32
        %dma_wait3A_384 = arith.constant 0 : i32
        %dma_wait3A_385 = tpu.memref_slice %arg9[%dma_wait3A_371, %dma_wait3A_383, %dma_wait3A_384] : memref<4x128x32xf32, #tpu.memory_space<vmem>> -> memref<1x128x32xf32, #tpu.memory_space<vmem>>
        %dma_wait3A_386 = tpu.memref_squeeze %dma_wait3A_385 : memref<1x128x32xf32, #tpu.memory_space<vmem>> -> memref<128x32xf32, #tpu.memory_space<vmem>>
        tpu.wait_dma2 semaphore(%dma_wait3A_380 : memref<!tpu.dma_semaphore, #tpu.memory_space<semaphore_mem>>) src(%dma_wait3A_386 : memref<128x32xf32, #tpu.memory_space<vmem>>) dst(%dma_wait3A_382 : memref<128x32xf32, #tpu.memory_space<hbm>>)
      } else {
      }
      %mul3A_333 = arith.constant 128 : i32
      %mul3A_334 = arith.muli %add3A_313, %mul3A_333 : i32
      %rem3A_335 = arith.constant 200 : i32
      %rem3A_336 = arith.remsi %mul3A_334, %rem3A_335 : i32
      %scan3A_337 = arith.constant 0 : i32
      %scan3A_338 = arith.constant 0 : i32
      %scan3A_339 = arith.constant 128 : i32
      %scan3A_340 = arith.addi %scan3A_338, %scan3A_339 : i32
      %scan3A_341 = arith.constant 4 : i32
      %scan3A_342 = scf.for %scan3A_371 = %scan3A_338 to %scan3A_340 step %scan3A_341 iter_args(%scan3A_372 = %scan3A_337) -> (i32)  : i32 {
        %add3A_373 = arith.addi %rem3A_336, %scan3A_371 : i32
        %get3A = arith.constant 3 : i32
        %get3A_374 = arith.index_cast %get3A : i32 to index
        %get3A_375 = arith.index_cast %scan3A_371 : i32 to index
        %get3A_376 = arith.constant 0 : index
        %get3A_377 = tpu.vector_load %arg8[%get3A_374, %get3A_375, %get3A_376] {strides = array<i32>} : memref<4x128x32xf32, #tpu.memory_space<vmem>>, vector<1x1x16xf32>,
        %get3A_378 = vector.shape_cast %get3A_377 : vector<1x1x16xf32> to vector<16xf32>
        %get3A_379 = arith.index_cast %add3A_373 : i32 to index
        %get3A_380 = arith.constant 0 : index
        %get3A_381 = tpu.vector_load %arg7[%get3A_379, %get3A_380] {strides = array<i32>} : memref<328x32xf32, #tpu.memory_space<vmem>>, vector<1x16xf32>,
        %get3A_382 = vector.shape_cast %get3A_381 : vector<1x16xf32> to vector<16xf32>
        %add3A_383 = arith.addf %get3A_378, %get3A_382 : vector<16xf32>
        %swap3A = arith.constant 3 : i32
        %swap3A_384 = arith.index_cast %swap3A : i32 to index
        %swap3A_385 = arith.index_cast %scan3A_371 : i32 to index
        %swap3A_386 = arith.constant 0 : index
        %swap3A_387 = tpu.vector_load %arg9[%swap3A_384, %swap3A_385, %swap3A_386] {strides = array<i32>} : memref<4x128x32xf32, #tpu.memory_space<vmem>>, vector<1x1x16xf32>,
        %swap3A_388 = vector.shape_cast %swap3A_387 : vector<1x1x16xf32> to vector<16xf32>
        %swap3A_389 = vector.shape_cast %add3A_383 : vector<16xf32> to vector<1x1x16xf32>
        tpu.vector_store %arg9[%swap3A_384, %swap3A_385, %swap3A_386], %swap3A_389 {strides = array<i32>} : memref<4x128x32xf32, #tpu.memory_space<vmem>>, vector<1x1x16xf32>,
        %get3A_390 = arith.constant 3 : i32
        %get3A_391 = arith.index_cast %get3A_390 : i32 to index
        %get3A_392 = arith.index_cast %scan3A_371 : i32 to index
        %get3A_393 = arith.constant 16 : index
        %get3A_394 = tpu.vector_load %arg8[%get3A_391, %get3A_392, %get3A_393] {strides = array<i32>} : memref<4x128x32xf32, #tpu.memory_space<vmem>>, vector<1x1x16xf32>,
        %get3A_395 = vector.shape_cast %get3A_394 : vector<1x1x16xf32> to vector<16xf32>
        %get3A_396 = arith.index_cast %add3A_373 : i32 to index
        %get3A_397 = arith.constant 16 : index
        %get3A_398 = tpu.vector_load %arg7[%get3A_396, %get3A_397] {strides = array<i32>} : memref<328x32xf32, #tpu.memory_space<vmem>>, vector<1x16xf32>,
        %get3A_399 = vector.shape_cast %get3A_398 : vector<1x16xf32> to vector<16xf32>
        %add3A_400 = arith.addf %get3A_395, %get3A_399 : vector<16xf32>
        %swap3A_401 = arith.constant 3 : i32
        %swap3A_402 = arith.index_cast %swap3A_401 : i32 to index
        %swap3A_403 = arith.index_cast %scan3A_371 : i32 to index
        %swap3A_404 = arith.constant 16 : index
        %swap3A_405 = tpu.vector_load %arg9[%swap3A_402, %swap3A_403, %swap3A_404] {strides = array<i32>} : memref<4x128x32xf32, #tpu.memory_space<vmem>>, vector<1x1x16xf32>,
        %swap3A_406 = vector.shape_cast %swap3A_405 : vector<1x1x16xf32> to vector<16xf32>
        %swap3A_407 = vector.shape_cast %add3A_400 : vector<16xf32> to vector<1x1x16xf32>
        tpu.vector_store %arg9[%swap3A_402, %swap3A_403, %swap3A_404], %swap3A_407 {strides = array<i32>} : memref<4x128x32xf32, #tpu.memory_space<vmem>>, vector<1x1x16xf32>,
        %scan3A_408 = arith.constant 0 : i32
        %scan3A_409 = arith.constant 1 : i32
        %scan3A_410 = arith.addi %scan3A_371, %scan3A_409 : i32
        %add3A_411 = arith.addi %rem3A_336, %scan3A_410 : i32
        %get3A_412 = arith.constant 3 : i32
        %get3A_413 = arith.index_cast %get3A_412 : i32 to index
        %get3A_414 = arith.index_cast %scan3A_410 : i32 to index
        %get3A_415 = arith.constant 0 : index
        %get3A_416 = tpu.vector_load %arg8[%get3A_413, %get3A_414, %get3A_415] {strides = array<i32>} : memref<4x128x32xf32, #tpu.memory_space<vmem>>, vector<1x1x16xf32>,
        %get3A_417 = vector.shape_cast %get3A_416 : vector<1x1x16xf32> to vector<16xf32>
        %get3A_418 = arith.index_cast %add3A_411 : i32 to index
        %get3A_419 = arith.constant 0 : index
        %get3A_420 = tpu.vector_load %arg7[%get3A_418, %get3A_419] {strides = array<i32>} : memref<328x32xf32, #tpu.memory_space<vmem>>, vector<1x16xf32>,
        %get3A_421 = vector.shape_cast %get3A_420 : vector<1x16xf32> to vector<16xf32>
        %add3A_422 = arith.addf %get3A_417, %get3A_421 : vector<16xf32>
        %swap3A_423 = arith.constant 3 : i32
        %swap3A_424 = arith.index_cast %swap3A_423 : i32 to index
        %swap3A_425 = arith.index_cast %scan3A_410 : i32 to index
        %swap3A_426 = arith.constant 0 : index
        %swap3A_427 = tpu.vector_load %arg9[%swap3A_424, %swap3A_425, %swap3A_426] {strides = array<i32>} : memref<4x128x32xf32, #tpu.memory_space<vmem>>, vector<1x1x16xf32>,
        %swap3A_428 = vector.shape_cast %swap3A_427 : vector<1x1x16xf32> to vector<16xf32>
        %swap3A_429 = vector.shape_cast %add3A_422 : vector<16xf32> to vector<1x1x16xf32>
        tpu.vector_store %arg9[%swap3A_424, %swap3A_425, %swap3A_426], %swap3A_429 {strides = array<i32>} : memref<4x128x32xf32, #tpu.memory_space<vmem>>, vector<1x1x16xf32>,
        %get3A_430 = arith.constant 3 : i32
        %get3A_431 = arith.index_cast %get3A_430 : i32 to index
        %get3A_432 = arith.index_cast %scan3A_410 : i32 to index
        %get3A_433 = arith.constant 16 : index
        %get3A_434 = tpu.vector_load %arg8[%get3A_431, %get3A_432, %get3A_433] {strides = array<i32>} : memref<4x128x32xf32, #tpu.memory_space<vmem>>, vector<1x1x16xf32>,
        %get3A_435 = vector.shape_cast %get3A_434 : vector<1x1x16xf32> to vector<16xf32>
        %get3A_436 = arith.index_cast %add3A_411 : i32 to index
        %get3A_437 = arith.constant 16 : index
        %get3A_438 = tpu.vector_load %arg7[%get3A_436, %get3A_437] {strides = array<i32>} : memref<328x32xf32, #tpu.memory_space<vmem>>, vector<1x16xf32>,
        %get3A_439 = vector.shape_cast %get3A_438 : vector<1x16xf32> to vector<16xf32>
        %add3A_440 = arith.addf %get3A_435, %get3A_439 : vector<16xf32>
        %swap3A_441 = arith.constant 3 : i32
        %swap3A_442 = arith.index_cast %swap3A_441 : i32 to index
        %swap3A_443 = arith.index_cast %scan3A_410 : i32 to index
        %swap3A_444 = arith.constant 16 : index
        %swap3A_445 = tpu.vector_load %arg9[%swap3A_442, %swap3A_443, %swap3A_444] {strides = array<i32>} : memref<4x128x32xf32, #tpu.memory_space<vmem>>, vector<1x1x16xf32>,
        %swap3A_446 = vector.shape_cast %swap3A_445 : vector<1x1x16xf32> to vector<16xf32>
        %swap3A_447 = vector.shape_cast %add3A_440 : vector<16xf32> to vector<1x1x16xf32>
        tpu.vector_store %arg9[%swap3A_442, %swap3A_443, %swap3A_444], %swap3A_447 {strides = array<i32>} : memref<4x128x32xf32, #tpu.memory_space<vmem>>, vector<1x1x16xf32>,
        %scan3A_448 = arith.constant 0 : i32
        %scan3A_449 = arith.constant 2 : i32
        %scan3A_450 = arith.addi %scan3A_371, %scan3A_449 : i32
        %add3A_451 = arith.addi %rem3A_336, %scan3A_450 : i32
        %get3A_452 = arith.constant 3 : i32
        %get3A_453 = arith.index_cast %get3A_452 : i32 to index
        %get3A_454 = arith.index_cast %scan3A_450 : i32 to index
        %get3A_455 = arith.constant 0 : index
        %get3A_456 = tpu.vector_load %arg8[%get3A_453, %get3A_454, %get3A_455] {strides = array<i32>} : memref<4x128x32xf32, #tpu.memory_space<vmem>>, vector<1x1x16xf32>,
        %get3A_457 = vector.shape_cast %get3A_456 : vector<1x1x16xf32> to vector<16xf32>
        %get3A_458 = arith.index_cast %add3A_451 : i32 to index
        %get3A_459 = arith.constant 0 : index
        %get3A_460 = tpu.vector_load %arg7[%get3A_458, %get3A_459] {strides = array<i32>} : memref<328x32xf32, #tpu.memory_space<vmem>>, vector<1x16xf32>,
        %get3A_461 = vector.shape_cast %get3A_460 : vector<1x16xf32> to vector<16xf32>
        %add3A_462 = arith.addf %get3A_457, %get3A_461 : vector<16xf32>
        %swap3A_463 = arith.constant 3 : i32
        %swap3A_464 = arith.index_cast %swap3A_463 : i32 to index
        %swap3A_465 = arith.index_cast %scan3A_450 : i32 to index
        %swap3A_466 = arith.constant 0 : index
        %swap3A_467 = tpu.vector_load %arg9[%swap3A_464, %swap3A_465, %swap3A_466] {strides = array<i32>} : memref<4x128x32xf32, #tpu.memory_space<vmem>>, vector<1x1x16xf32>,
        %swap3A_468 = vector.shape_cast %swap3A_467 : vector<1x1x16xf32> to vector<16xf32>
        %swap3A_469 = vector.shape_cast %add3A_462 : vector<16xf32> to vector<1x1x16xf32>
        tpu.vector_store %arg9[%swap3A_464, %swap3A_465, %swap3A_466], %swap3A_469 {strides = array<i32>} : memref<4x128x32xf32, #tpu.memory_space<vmem>>, vector<1x1x16xf32>,
        %get3A_470 = arith.constant 3 : i32
        %get3A_471 = arith.index_cast %get3A_470 : i32 to index
        %get3A_472 = arith.index_cast %scan3A_450 : i32 to index
        %get3A_473 = arith.constant 16 : index
        %get3A_474 = tpu.vector_load %arg8[%get3A_471, %get3A_472, %get3A_473] {strides = array<i32>} : memref<4x128x32xf32, #tpu.memory_space<vmem>>, vector<1x1x16xf32>,
        %get3A_475 = vector.shape_cast %get3A_474 : vector<1x1x16xf32> to vector<16xf32>
        %get3A_476 = arith.index_cast %add3A_451 : i32 to index
        %get3A_477 = arith.constant 16 : index
        %get3A_478 = tpu.vector_load %arg7[%get3A_476, %get3A_477] {strides = array<i32>} : memref<328x32xf32, #tpu.memory_space<vmem>>, vector<1x16xf32>,
        %get3A_479 = vector.shape_cast %get3A_478 : vector<1x16xf32> to vector<16xf32>
        %add3A_480 = arith.addf %get3A_475, %get3A_479 : vector<16xf32>
        %swap3A_481 = arith.constant 3 : i32
        %swap3A_482 = arith.index_cast %swap3A_481 : i32 to index
        %swap3A_483 = arith.index_cast %scan3A_450 : i32 to index
        %swap3A_484 = arith.constant 16 : index
        %swap3A_485 = tpu.vector_load %arg9[%swap3A_482, %swap3A_483, %swap3A_484] {strides = array<i32>} : memref<4x128x32xf32, #tpu.memory_space<vmem>>, vector<1x1x16xf32>,
        %swap3A_486 = vector.shape_cast %swap3A_485 : vector<1x1x16xf32> to vector<16xf32>
        %swap3A_487 = vector.shape_cast %add3A_480 : vector<16xf32> to vector<1x1x16xf32>
        tpu.vector_store %arg9[%swap3A_482, %swap3A_483, %swap3A_484], %swap3A_487 {strides = array<i32>} : memref<4x128x32xf32, #tpu.memory_space<vmem>>, vector<1x1x16xf32>,
        %scan3A_488 = arith.constant 0 : i32
        %scan3A_489 = arith.constant 3 : i32
        %scan3A_490 = arith.addi %scan3A_371, %scan3A_489 : i32
        %add3A_491 = arith.addi %rem3A_336, %scan3A_490 : i32
        %get3A_492 = arith.constant 3 : i32
        %get3A_493 = arith.index_cast %get3A_492 : i32 to index
        %get3A_494 = arith.index_cast %scan3A_490 : i32 to index
        %get3A_495 = arith.constant 0 : index
        %get3A_496 = tpu.vector_load %arg8[%get3A_493, %get3A_494, %get3A_495] {strides = array<i32>} : memref<4x128x32xf32, #tpu.memory_space<vmem>>, vector<1x1x16xf32>,
        %get3A_497 = vector.shape_cast %get3A_496 : vector<1x1x16xf32> to vector<16xf32>
        %get3A_498 = arith.index_cast %add3A_491 : i32 to index
        %get3A_499 = arith.constant 0 : index
        %get3A_500 = tpu.vector_load %arg7[%get3A_498, %get3A_499] {strides = array<i32>} : memref<328x32xf32, #tpu.memory_space<vmem>>, vector<1x16xf32>,
        %get3A_501 = vector.shape_cast %get3A_500 : vector<1x16xf32> to vector<16xf32>
        %add3A_502 = arith.addf %get3A_497, %get3A_501 : vector<16xf32>
        %swap3A_503 = arith.constant 3 : i32
        %swap3A_504 = arith.index_cast %swap3A_503 : i32 to index
        %swap3A_505 = arith.index_cast %scan3A_490 : i32 to index
        %swap3A_506 = arith.constant 0 : index
        %swap3A_507 = tpu.vector_load %arg9[%swap3A_504, %swap3A_505, %swap3A_506] {strides = array<i32>} : memref<4x128x32xf32, #tpu.memory_space<vmem>>, vector<1x1x16xf32>,
        %swap3A_508 = vector.shape_cast %swap3A_507 : vector<1x1x16xf32> to vector<16xf32>
        %swap3A_509 = vector.shape_cast %add3A_502 : vector<16xf32> to vector<1x1x16xf32>
        tpu.vector_store %arg9[%swap3A_504, %swap3A_505, %swap3A_506], %swap3A_509 {strides = array<i32>} : memref<4x128x32xf32, #tpu.memory_space<vmem>>, vector<1x1x16xf32>,
        %get3A_510 = arith.constant 3 : i32
        %get3A_511 = arith.index_cast %get3A_510 : i32 to index
        %get3A_512 = arith.index_cast %scan3A_490 : i32 to index
        %get3A_513 = arith.constant 16 : index
        %get3A_514 = tpu.vector_load %arg8[%get3A_511, %get3A_512, %get3A_513] {strides = array<i32>} : memref<4x128x32xf32, #tpu.memory_space<vmem>>, vector<1x1x16xf32>,
        %get3A_515 = vector.shape_cast %get3A_514 : vector<1x1x16xf32> to vector<16xf32>
        %get3A_516 = arith.index_cast %add3A_491 : i32 to index
        %get3A_517 = arith.constant 16 : index
        %get3A_518 = tpu.vector_load %arg7[%get3A_516, %get3A_517] {strides = array<i32>} : memref<328x32xf32, #tpu.memory_space<vmem>>, vector<1x16xf32>,
        %get3A_519 = vector.shape_cast %get3A_518 : vector<1x16xf32> to vector<16xf32>
        %add3A_520 = arith.addf %get3A_515, %get3A_519 : vector<16xf32>
        %swap3A_521 = arith.constant 3 : i32
        %swap3A_522 = arith.index_cast %swap3A_521 : i32 to index
        %swap3A_523 = arith.index_cast %scan3A_490 : i32 to index
        %swap3A_524 = arith.constant 16 : index
        %swap3A_525 = tpu.vector_load %arg9[%swap3A_522, %swap3A_523, %swap3A_524] {strides = array<i32>} : memref<4x128x32xf32, #tpu.memory_space<vmem>>, vector<1x1x16xf32>,
        %swap3A_526 = vector.shape_cast %swap3A_525 : vector<1x1x16xf32> to vector<16xf32>
        %swap3A_527 = vector.shape_cast %add3A_520 : vector<16xf32> to vector<1x1x16xf32>
        tpu.vector_store %arg9[%swap3A_522, %swap3A_523, %swap3A_524], %swap3A_527 {strides = array<i32>} : memref<4x128x32xf32, #tpu.memory_space<vmem>>, vector<1x1x16xf32>,
        %scan3A_528 = arith.constant 0 : i32
        scf.yield %scan3A_528 : i32
      }
      %scan3A_343 = arith.constant 128 : i32
      %mul3A_344 = arith.constant 128 : i32
      %mul3A_345 = arith.muli %add3A_313, %mul3A_344 : i32
      %add3A_346 = arith.addi %mul3A_4, %mul3A_345 : i32
      %dma_start3A_347 = arith.constant 3 : i32
      %dma_start3A_348 = arith.constant 3 : i32
      %dma_start3A_349 = arith.constant 0 : i32
      %dma_start3A_350 = arith.constant 0 : i32
      %dma_start3A_351 = tpu.memref_slice %arg9[%dma_start3A_347, %dma_start3A_349, %dma_start3A_350] : memref<4x128x32xf32, #tpu.memory_space<vmem>> -> memref<1x128x32xf32, #tpu.memory_space<vmem>>
      %dma_start3A_352 = tpu.memref_squeeze %dma_start3A_351 : memref<1x128x32xf32, #tpu.memory_space<vmem>> -> memref<128x32xf32, #tpu.memory_space<vmem>>
      %dma_start3A_353 = arith.constant 0 : i32
      %dma_start3A_354 = tpu.memref_slice %arg5[%add3A_346, %dma_start3A_353] : memref<819200x32xf32, #tpu.memory_space<hbm>> -> memref<128x32xf32, #tpu.memory_space<hbm>>
      %dma_start3A_355 = tpu.memref_slice %arg11[%dma_start3A_348] : memref<4x!tpu.dma_semaphore, #tpu.memory_space<semaphore_mem>> -> memref<1x!tpu.dma_semaphore, #tpu.memory_space<semaphore_mem>>
      %dma_start3A_356 = tpu.memref_squeeze %dma_start3A_355 : memref<1x!tpu.dma_semaphore, #tpu.memory_space<semaphore_mem>> -> memref<!tpu.dma_semaphore, #tpu.memory_space<semaphore_mem>>
      %dma_start3A_357 = arith.constant 0 : i32
      %dma_start3A_358 = tpu.memref_slice %arg5[%add3A_346, %dma_start3A_357] : memref<819200x32xf32, #tpu.memory_space<hbm>> -> memref<128x32xf32, #tpu.memory_space<hbm>>
      %dma_start3A_359 = arith.constant 0 : i32
      %dma_start3A_360 = arith.constant 0 : i32
      %dma_start3A_361 = tpu.memref_slice %arg9[%dma_start3A_347, %dma_start3A_359, %dma_start3A_360] : memref<4x128x32xf32, #tpu.memory_space<vmem>> -> memref<1x128x32xf32, #tpu.memory_space<vmem>>
      %dma_start3A_362 = tpu.memref_squeeze %dma_start3A_361 : memref<1x128x32xf32, #tpu.memory_space<vmem>> -> memref<128x32xf32, #tpu.memory_space<vmem>>
      tpu.enqueue_dma source(%dma_start3A_362 : memref<128x32xf32, #tpu.memory_space<vmem>>) target(%dma_start3A_358 : memref<128x32xf32, #tpu.memory_space<hbm>>) target_semaphore(%dma_start3A_356 : memref<!tpu.dma_semaphore, #tpu.memory_space<semaphore_mem>>)
      %add3A_363 = arith.constant 4 : i32
      %add3A_364 = arith.addi %add3A_313, %add3A_363 : i32
      %lt3A_365 = arith.constant 200 : i32
      %lt3A_366 = arith.cmpi slt, %add3A_364, %lt3A_365 : i32
      %convert_element_type3A_367 = arith.extui %lt3A_366 : i1 to i32
      %cond3A_368 = arith.constant 0 : i32
      %cond3A_369 = arith.cmpi ne, %convert_element_type3A_367, %cond3A_368 : i32
      scf.if %cond3A_369 {
        %add3A_371 = arith.constant 4 : i32
        %add3A_372 = arith.addi %add3A_313, %add3A_371 : i32
        %dma_start3A_373 = arith.constant 3 : i32
        %dma_start3A_374 = arith.constant 3 : i32
        %dma_start3A_375 = arith.constant 0 : i32
        %dma_start3A_376 = arith.constant 0 : i32
        %dma_start3A_377 = tpu.memref_slice %arg8[%dma_start3A_373, %dma_start3A_375, %dma_start3A_376] : memref<4x128x32xf32, #tpu.memory_space<vmem>> -> memref<1x128x32xf32, #tpu.memory_space<vmem>>
        %dma_start3A_378 = tpu.memref_squeeze %dma_start3A_377 : memref<1x128x32xf32, #tpu.memory_space<vmem>> -> memref<128x32xf32, #tpu.memory_space<vmem>>
        %dma_start3A_379 = arith.constant 0 : i32
        %dma_start3A_380 = tpu.memref_slice %arg6[%add3A_372, %dma_start3A_379] : memref<200x128xi32, #tpu.memory_space<vmem>> -> memref<1x128xi32, #tpu.memory_space<vmem>>
        %dma_start3A_381 = tpu.memref_squeeze %dma_start3A_380 : memref<1x128xi32, #tpu.memory_space<vmem>> -> memref<128xi32, #tpu.memory_space<vmem>>
        %dma_start3A_382 = arith.constant 0 : i32
        %dma_start3A_383 = arith.constant 0 : i32
        %dma_start3A_384 = tpu.memref_slice %arg3[%dma_start3A_382, %dma_start3A_383] : memref<1000000x32xf32, #tpu.memory_space<hbm>> -> memref<1000000x32xf32, #tpu.memory_space<hbm>>
        %dma_start3A_385 = tpu.memref_slice %arg10[%dma_start3A_374] : memref<4x!tpu.dma_semaphore, #tpu.memory_space<semaphore_mem>> -> memref<1x!tpu.dma_semaphore, #tpu.memory_space<semaphore_mem>>
        %dma_start3A_386 = tpu.memref_squeeze %dma_start3A_385 : memref<1x!tpu.dma_semaphore, #tpu.memory_space<semaphore_mem>> -> memref<!tpu.dma_semaphore, #tpu.memory_space<semaphore_mem>>
        tpu.enqueue_indirect_dma source(%dma_start3A_384 : memref<1000000x32xf32, #tpu.memory_space<hbm>>) target(%dma_start3A_378 : memref<128x32xf32, #tpu.memory_space<vmem>>) offsets(%dma_start3A_381 : memref<128xi32, #tpu.memory_space<vmem>>) semaphore(%dma_start3A_386 : memref<!tpu.dma_semaphore, #tpu.memory_space<semaphore_mem>>)
      } else {
      }
      %scan3A_370 = arith.constant 0 : i32
      scf.yield %scan3A_370 : i32
    }
    %scan3A_69 = arith.constant 50 : i32
    %dma_wait3A = arith.constant 0 : i32
    %dma_wait3A_70 = arith.constant 0 : i32
    %dma_wait3A_71 = arith.constant 0 : i32
    %dma_wait3A_72 = arith.constant 0 : i32
    %dma_wait3A_73 = tpu.memref_slice %arg9[%dma_wait3A, %dma_wait3A_71, %dma_wait3A_72] : memref<4x128x32xf32, #tpu.memory_space<vmem>> -> memref<1x128x32xf32, #tpu.memory_space<vmem>>
    %dma_wait3A_74 = tpu.memref_squeeze %dma_wait3A_73 : memref<1x128x32xf32, #tpu.memory_space<vmem>> -> memref<128x32xf32, #tpu.memory_space<vmem>>
    %dma_wait3A_75 = arith.constant 0 : i32
    %dma_wait3A_76 = tpu.memref_slice %arg5[%mul3A_4, %dma_wait3A_75] : memref<819200x32xf32, #tpu.memory_space<hbm>> -> memref<128x32xf32, #tpu.memory_space<hbm>>
    %dma_wait3A_77 = tpu.memref_slice %arg11[%dma_wait3A_70] : memref<4x!tpu.dma_semaphore, #tpu.memory_space<semaphore_mem>> -> memref<1x!tpu.dma_semaphore, #tpu.memory_space<semaphore_mem>>
    %dma_wait3A_78 = tpu.memref_squeeze %dma_wait3A_77 : memref<1x!tpu.dma_semaphore, #tpu.memory_space<semaphore_mem>> -> memref<!tpu.dma_semaphore, #tpu.memory_space<semaphore_mem>>
    %dma_wait3A_79 = arith.constant 0 : i32
    %dma_wait3A_80 = tpu.memref_slice %arg5[%mul3A_4, %dma_wait3A_79] : memref<819200x32xf32, #tpu.memory_space<hbm>> -> memref<128x32xf32, #tpu.memory_space<hbm>>
    %dma_wait3A_81 = arith.constant 0 : i32
    %dma_wait3A_82 = arith.constant 0 : i32
    %dma_wait3A_83 = tpu.memref_slice %arg9[%dma_wait3A, %dma_wait3A_81, %dma_wait3A_82] : memref<4x128x32xf32, #tpu.memory_space<vmem>> -> memref<1x128x32xf32, #tpu.memory_space<vmem>>
    %dma_wait3A_84 = tpu.memref_squeeze %dma_wait3A_83 : memref<1x128x32xf32, #tpu.memory_space<vmem>> -> memref<128x32xf32, #tpu.memory_space<vmem>>
    tpu.wait_dma2 semaphore(%dma_wait3A_78 : memref<!tpu.dma_semaphore, #tpu.memory_space<semaphore_mem>>) src(%dma_wait3A_84 : memref<128x32xf32, #tpu.memory_space<vmem>>) dst(%dma_wait3A_80 : memref<128x32xf32, #tpu.memory_space<hbm>>)
    %dma_wait3A_85 = arith.constant 1 : i32
    %dma_wait3A_86 = arith.constant 1 : i32
    %dma_wait3A_87 = arith.constant 0 : i32
    %dma_wait3A_88 = arith.constant 0 : i32
    %dma_wait3A_89 = tpu.memref_slice %arg9[%dma_wait3A_85, %dma_wait3A_87, %dma_wait3A_88] : memref<4x128x32xf32, #tpu.memory_space<vmem>> -> memref<1x128x32xf32, #tpu.memory_space<vmem>>
    %dma_wait3A_90 = tpu.memref_squeeze %dma_wait3A_89 : memref<1x128x32xf32, #tpu.memory_space<vmem>> -> memref<128x32xf32, #tpu.memory_space<vmem>>
    %dma_wait3A_91 = arith.constant 0 : i32
    %dma_wait3A_92 = tpu.memref_slice %arg5[%mul3A_4, %dma_wait3A_91] : memref<819200x32xf32, #tpu.memory_space<hbm>> -> memref<128x32xf32, #tpu.memory_space<hbm>>
    %dma_wait3A_93 = tpu.memref_slice %arg11[%dma_wait3A_86] : memref<4x!tpu.dma_semaphore, #tpu.memory_space<semaphore_mem>> -> memref<1x!tpu.dma_semaphore, #tpu.memory_space<semaphore_mem>>
    %dma_wait3A_94 = tpu.memref_squeeze %dma_wait3A_93 : memref<1x!tpu.dma_semaphore, #tpu.memory_space<semaphore_mem>> -> memref<!tpu.dma_semaphore, #tpu.memory_space<semaphore_mem>>
    %dma_wait3A_95 = arith.constant 0 : i32
    %dma_wait3A_96 = tpu.memref_slice %arg5[%mul3A_4, %dma_wait3A_95] : memref<819200x32xf32, #tpu.memory_space<hbm>> -> memref<128x32xf32, #tpu.memory_space<hbm>>
    %dma_wait3A_97 = arith.constant 0 : i32
    %dma_wait3A_98 = arith.constant 0 : i32
    %dma_wait3A_99 = tpu.memref_slice %arg9[%dma_wait3A_85, %dma_wait3A_97, %dma_wait3A_98] : memref<4x128x32xf32, #tpu.memory_space<vmem>> -> memref<1x128x32xf32, #tpu.memory_space<vmem>>
    %dma_wait3A_100 = tpu.memref_squeeze %dma_wait3A_99 : memref<1x128x32xf32, #tpu.memory_space<vmem>> -> memref<128x32xf32, #tpu.memory_space<vmem>>
    tpu.wait_dma2 semaphore(%dma_wait3A_94 : memref<!tpu.dma_semaphore, #tpu.memory_space<semaphore_mem>>) src(%dma_wait3A_100 : memref<128x32xf32, #tpu.memory_space<vmem>>) dst(%dma_wait3A_96 : memref<128x32xf32, #tpu.memory_space<hbm>>)
    %dma_wait3A_101 = arith.constant 2 : i32
    %dma_wait3A_102 = arith.constant 2 : i32
    %dma_wait3A_103 = arith.constant 0 : i32
    %dma_wait3A_104 = arith.constant 0 : i32
    %dma_wait3A_105 = tpu.memref_slice %arg9[%dma_wait3A_101, %dma_wait3A_103, %dma_wait3A_104] : memref<4x128x32xf32, #tpu.memory_space<vmem>> -> memref<1x128x32xf32, #tpu.memory_space<vmem>>
    %dma_wait3A_106 = tpu.memref_squeeze %dma_wait3A_105 : memref<1x128x32xf32, #tpu.memory_space<vmem>> -> memref<128x32xf32, #tpu.memory_space<vmem>>
    %dma_wait3A_107 = arith.constant 0 : i32
    %dma_wait3A_108 = tpu.memref_slice %arg5[%mul3A_4, %dma_wait3A_107] : memref<819200x32xf32, #tpu.memory_space<hbm>> -> memref<128x32xf32, #tpu.memory_space<hbm>>
    %dma_wait3A_109 = tpu.memref_slice %arg11[%dma_wait3A_102] : memref<4x!tpu.dma_semaphore, #tpu.memory_space<semaphore_mem>> -> memref<1x!tpu.dma_semaphore, #tpu.memory_space<semaphore_mem>>
    %dma_wait3A_110 = tpu.memref_squeeze %dma_wait3A_109 : memref<1x!tpu.dma_semaphore, #tpu.memory_space<semaphore_mem>> -> memref<!tpu.dma_semaphore, #tpu.memory_space<semaphore_mem>>
    %dma_wait3A_111 = arith.constant 0 : i32
    %dma_wait3A_112 = tpu.memref_slice %arg5[%mul3A_4, %dma_wait3A_111] : memref<819200x32xf32, #tpu.memory_space<hbm>> -> memref<128x32xf32, #tpu.memory_space<hbm>>
    %dma_wait3A_113 = arith.constant 0 : i32
    %dma_wait3A_114 = arith.constant 0 : i32
    %dma_wait3A_115 = tpu.memref_slice %arg9[%dma_wait3A_101, %dma_wait3A_113, %dma_wait3A_114] : memref<4x128x32xf32, #tpu.memory_space<vmem>> -> memref<1x128x32xf32, #tpu.memory_space<vmem>>
    %dma_wait3A_116 = tpu.memref_squeeze %dma_wait3A_115 : memref<1x128x32xf32, #tpu.memory_space<vmem>> -> memref<128x32xf32, #tpu.memory_space<vmem>>
    tpu.wait_dma2 semaphore(%dma_wait3A_110 : memref<!tpu.dma_semaphore, #tpu.memory_space<semaphore_mem>>) src(%dma_wait3A_116 : memref<128x32xf32, #tpu.memory_space<vmem>>) dst(%dma_wait3A_112 : memref<128x32xf32, #tpu.memory_space<hbm>>)
    %dma_wait3A_117 = arith.constant 3 : i32
    %dma_wait3A_118 = arith.constant 3 : i32
    %dma_wait3A_119 = arith.constant 0 : i32
    %dma_wait3A_120 = arith.constant 0 : i32
    %dma_wait3A_121 = tpu.memref_slice %arg9[%dma_wait3A_117, %dma_wait3A_119, %dma_wait3A_120] : memref<4x128x32xf32, #tpu.memory_space<vmem>> -> memref<1x128x32xf32, #tpu.memory_space<vmem>>
    %dma_wait3A_122 = tpu.memref_squeeze %dma_wait3A_121 : memref<1x128x32xf32, #tpu.memory_space<vmem>> -> memref<128x32xf32, #tpu.memory_space<vmem>>
    %dma_wait3A_123 = arith.constant 0 : i32
    %dma_wait3A_124 = tpu.memref_slice %arg5[%mul3A_4, %dma_wait3A_123] : memref<819200x32xf32, #tpu.memory_space<hbm>> -> memref<128x32xf32, #tpu.memory_space<hbm>>
    %dma_wait3A_125 = tpu.memref_slice %arg11[%dma_wait3A_118] : memref<4x!tpu.dma_semaphore, #tpu.memory_space<semaphore_mem>> -> memref<1x!tpu.dma_semaphore, #tpu.memory_space<semaphore_mem>>
    %dma_wait3A_126 = tpu.memref_squeeze %dma_wait3A_125 : memref<1x!tpu.dma_semaphore, #tpu.memory_space<semaphore_mem>> -> memref<!tpu.dma_semaphore, #tpu.memory_space<semaphore_mem>>
    %dma_wait3A_127 = arith.constant 0 : i32
    %dma_wait3A_128 = tpu.memref_slice %arg5[%mul3A_4, %dma_wait3A_127] : memref<819200x32xf32, #tpu.memory_space<hbm>> -> memref<128x32xf32, #tpu.memory_space<hbm>>
    %dma_wait3A_129 = arith.constant 0 : i32
    %dma_wait3A_130 = arith.constant 0 : i32
    %dma_wait3A_131 = tpu.memref_slice %arg9[%dma_wait3A_117, %dma_wait3A_129, %dma_wait3A_130] : memref<4x128x32xf32, #tpu.memory_space<vmem>> -> memref<1x128x32xf32, #tpu.memory_space<vmem>>
    %dma_wait3A_132 = tpu.memref_squeeze %dma_wait3A_131 : memref<1x128x32xf32, #tpu.memory_space<vmem>> -> memref<128x32xf32, #tpu.memory_space<vmem>>
    tpu.wait_dma2 semaphore(%dma_wait3A_126 : memref<!tpu.dma_semaphore, #tpu.memory_space<semaphore_mem>>) src(%dma_wait3A_132 : memref<128x32xf32, #tpu.memory_space<vmem>>) dst(%dma_wait3A_128 : memref<128x32xf32, #tpu.memory_space<hbm>>)
    return
  }
}

</mosaic_0001>

<sc_bundles>
// kernel: kernel.3.cloned.1.call-start
scs
__scs_entry_jumppad:
0x0: {  	(pc) =	sbr.rel $0x88, $3  }
0x1: {  	(tag) =	ssettag $0x0;
	lr =	simm.s32 $0x1  }
0x2: {  	[smem:$0x3F9E] =	sst lr;
	_ =	strace $0xD0000000  }
0x3: {  	_ = 	snop  }
0x4: {  	_ = 	snop  }
0x5: {  	_ = 	snop  }
0x6: {  	_ = 	snop  }
0x7: {  	_ = 	snop  }
__scs_overlays_trampoline_lowered:
0x8: {  	[smem:$0x3FAD] =	sst s0  }
0x9: {  	[smem:$0x3FAE] =	sst s1  }
0xa: {  	[smem:$0x3FAF] =	sst s2  }
0xb: {  	[smem:$0x3FB0] =	sst s3  }
0xc: {  	[smem:$0x3FB1] =	sst s4  }
0xd: {  	[smem:$0x3FB2] =	sst s5  }
0xe: {  	[smem:$0x3FB3] =	sst s6  }
0xf: {  	[smem:$0x3FB4] =	sst s7  }
0x10: {  	[smem:$0x3FB5] =	sst s8  }
0x11: {  	[smem:$0x3FB6] =	sst s9;
	s0 =	simm.s32 @!p0 $0x0  }
0x12: {  	s1 =	sld [smem:$0x3F9C];
	s0 =	simm.s32 @p0 $0x1  }
0x13: {  	[smem:$0x3FB7] =	sst s0;
	s0 =	simm.s32 @!p1 $0x0  }
0x14: {  	s2 =	sld [smem:$0x3F9B];
	s0 =	simm.s32 @p1 $0x1  }
0x15: {  	[smem:$0x3FB8] =	sst s0;
	s0 =	simm.s32 @!p2 $0x0  }
0x16: {  	s3 =	sld [smem:$0x3FDB];
	s0 =	simm.s32 @p2 $0x1  }
0x17: {  	s4 =	simm.s32 $0x1BF5;
	[smem:$0x3FBA] =	sst s0  }
0x18: {  	s0 =	sld [smem:$0x3F9D];
	_ =	swait.ge [sflag:s4], $0x0  }
0x19: {  	s7 =	sld [smem:$0x3F9E]  }
0x1a: {  	s8 =	sadd.s32 $0xFFFFE003, lr  }
0x1b: {  	s9 =	sadd.s32 $0xFFFFFEF7, lr;
	s5 =	simm.s32 $0xFFFFFFFF;
	p2 =	slt.u32 s8, $0xFFFFF086  }
0x1c: {  	p1 =	slt.u32 s9, $0xF7A;
	s5 =	simm.s32 @!p2 $0x0  }
0x1d: {  	s5 =	simm.s32 @p1 $0x1;
	p0 =	seq.s32 s7, s2  }
0x1e: {  	s7 =	smul.u32 @!p0 $0xF7A, s2;
	p2 =	seq.s32 @!p0 s5, $0x0  }
0x1f: {  	s9 =	smul.u32 $0xF7A, s1;
	s8 =	simm.s32 @!p0 $0x1BF5;
	p2 =	por !p2, p0  }
0x20: {  	[sflag:s8] =	ssyncset.s32 @!p0 $0xFFFFF086;
	s6 =	sadd.s32 @!p0 s3, s7;
	s7 =	simm.s32 @!p0 $0x108  }
0x21: {  	s3 =	sadd.s32 s3, s9;
	s6 =	sadd.s32 @!p0 $0x88, s6;
	s7 =	simm.s32 @p2 $0x1082  }
0x22: {  	[simem:s7], [sflag:s8] =	dma.local @!p0 [hbm:s6], $0xF7A  }
0x23: {  	s9 =	sor.u32 $0xD0000000, s2;
	s6 =	simm.s32 $0x108;
	_ =	swait.ge @!p0 [sflag:s8], $0x0  }
0x24: {  	s3 =	sadd.s32 $0x88, s3;
	s6 =	simm.s32 @!p1 $0x1082;
	[sflag:s4] =	ssyncset.s32 $0xFFFFF086  }
0x25: {  	[simem:s6], [sflag:s4] =	dma.local [hbm:s3], $0xF7A  }
0x26: {  	[smem:$0x3F9E] =	sst s1;
	(tag) =	ssettag s2;
	_ =	strace s9  }
0x27: {  	s1 =	sld [smem:$0x3FAE]  }
0x28: {  	s2 =	sld [smem:$0x3FAF]  }
0x29: {  	s4 =	sld [smem:$0x3FB1]  }
0x2a: {  	p0 =	seq.s32 s5, $0x0;
	s5 =	sld [smem:$0x3FB2]  }
0x2b: {  	s6 =	sld [smem:$0x3FB3]  }
0x2c: {  	s7 =	sld [smem:$0x3FB4]  }
0x2d: {  	s3 =	simm.s32 $0x108;
	s8 =	sld [smem:$0x3FB5]  }
0x2e: {  	s3 =	simm.s32 @!p0 $0x1082;
	s9 =	sld [smem:$0x3FB6]  }
0x2f: {  	lr =	sadd.s32 s0, s3;
	s0 =	sld [smem:$0x3FAD]  }
0x30: {  	s3 =	sld [smem:$0x3FB0]  }
0x31: {  	[smem:$0x3FB9] =	sst s10  }
0x32: {  	s10 =	sld [smem:$0x3FB7];
	_ =	sdelay $0x3  }
0x33: {  	p0 =	seq.s32 s10, $0x1;
	s10 =	sld [smem:$0x3FB9];
	_ =	sdelay $0x3  }
0x34: {  	[smem:$0x3FB9] =	sst s10  }
0x35: {  	s10 =	sld [smem:$0x3FB8];
	_ =	sdelay $0x3  }
0x36: {  	p1 =	seq.s32 s10, $0x1;
	s10 =	sld [smem:$0x3FB9];
	_ =	sdelay $0x3  }
0x37: {  	[smem:$0x3FB9] =	sst s10  }
0x38: {  	s10 =	sld [smem:$0x3FBA]  }
0x39: {  	_ = 	snop;
	(pc) =	sbr.ind lr, $3  }
0x3a: {  	_ = 	snop  }
0x3b: {  	_ = 	snop  }
0x3c: {  	p2 =	seq.s32 s10, $0x1;
	s10 =	sld [smem:$0x3FB9]  }
0x3d: {  	_ =	shalt  }
0x3e: {  	_ =	shalt  }
0x3f: {  	_ =	shalt  }
0x40: {  	_ =	shalt  }
0x41: {  	_ =	shalt  }
0x42: {  	_ =	shalt  }
0x43: {  	_ =	shalt  }
0x44: {  	_ =	shalt  }
0x45: {  	_ =	shalt  }
0x46: {  	_ =	shalt  }
0x47: {  	_ =	shalt  }
0x48: {  	_ =	shalt  }
0x49: {  	_ =	shalt  }
0x4a: {  	_ =	shalt  }
0x4b: {  	_ =	shalt  }
0x4c: {  	_ =	shalt  }
0x4d: {  	_ =	shalt  }
0x4e: {  	_ =	shalt  }
0x4f: {  	_ =	shalt  }
0x50: {  	_ =	shalt  }
0x51: {  	_ =	shalt  }
0x52: {  	_ =	shalt  }
0x53: {  	_ =	shalt  }
0x54: {  	_ =	shalt  }
0x55: {  	_ =	shalt  }
0x56: {  	_ =	shalt  }
0x57: {  	_ =	shalt  }
0x58: {  	_ =	shalt  }
0x59: {  	_ =	shalt  }
0x5a: {  	_ =	shalt  }
0x5b: {  	_ =	shalt  }
0x5c: {  	_ =	shalt  }
0x5d: {  	_ =	shalt  }
0x5e: {  	_ =	shalt  }
0x5f: {  	_ =	shalt  }
0x60: {  	_ =	shalt  }
0x61: {  	_ =	shalt  }
0x62: {  	_ =	shalt  }
0x63: {  	_ =	shalt  }
0x64: {  	_ =	shalt  }
0x65: {  	_ =	shalt  }
0x66: {  	_ =	shalt  }
0x67: {  	_ =	shalt  }
0x68: {  	_ =	shalt  }
0x69: {  	_ =	shalt  }
0x6a: {  	_ =	shalt  }
0x6b: {  	_ =	shalt  }
0x6c: {  	_ =	shalt  }
0x6d: {  	_ =	shalt  }
0x6e: {  	_ =	shalt  }
0x6f: {  	_ =	shalt  }
0x70: {  	_ =	shalt  }
0x71: {  	_ =	shalt  }
0x72: {  	_ =	shalt  }
0x73: {  	_ =	shalt  }
0x74: {  	_ =	shalt  }
0x75: {  	_ =	shalt  }
0x76: {  	_ =	shalt  }
0x77: {  	_ =	shalt  }
0x78: {  	_ =	shalt  }
0x79: {  	_ =	shalt  }
0x7a: {  	_ =	shalt  }
0x7b: {  	_ =	shalt  }
0x7c: {  	_ =	shalt  }
0x7d: {  	_ =	shalt  }
0x7e: {  	_ =	shalt  }
0x7f: {  	_ =	shalt  }
0x80: {  	_ =	shalt  }
0x81: {  	_ =	shalt  }
0x82: {  	_ =	shalt  }
0x83: {  	_ =	shalt  }
0x84: {  	_ =	shalt  }
0x85: {  	_ =	shalt  }
0x86: {  	_ =	shalt  }
0x87: {  	_ =	shalt  }
.Lfunc_end0:
.L_simem_size_0:
called_computation.1_lowered:
.L_overlay_start_0:
0x88: {  	s2 =	sld [smem:$0x3FD9]  }
0x89: {  	s3 =	sld [smem:$0x3FFE];
	_ =	sdelay $0x1  }
0x8a: {  	s1 =	srdreg.scid  }
0x8b: {  	s0 =	sand.u32 $0x1, s1  }
0x8c: {  	s17 =	sshll.u32 s0, $0xA;
	s2 =	sadd.s32 s3, s2  }
0x8d: {  	s2 =	sadd.s32 s2, s17  }
0x8e: {  	[smem:$0x3FC5] =	sst s2  }
0x8f: {  	_ = 	snop  }
0x90: {  	s2 =	sld [smem:$0x3FD0];
	(tm) =	ssettm $0x1  }
0x91: {  	s18 =	sld [smem:$0x3FFB];
	_ =	sdelay $0x3  }
0x92: {  	_ =	strace s18  }
0x93: {  	s3 =	sld [smem:$0x3FFC];
	_ =	sdelay $0x3  }
0x94: {  	_ =	strace s3  }
0x95: {  	s3 =	sld [smem:$0x3FFD];
	_ =	sdelay $0x3  }
0x96: {  	_ =	strace s3  }
0x97: {  	_ =	strace $0x8FFFFFFF  }
0x98: {  	s19 =	sld [smem:$0x3FDB];
	_ =	sdelay $0x1  }
0x99: {  	s4 =	simm.s32 $_scs_section_size  }
0x9a: {  	s5 =	simm.s32 $_size__tile_overlayer_lowered;
	s6 =	simm.s32 $_tile_overlayer_lowered  }
0x9b: {  	s22 =	simm.s32 $0x1BFF;
	s21 =	sshll.u32 s6, $0x1;
	s3 =	sadd.s32 s4, s19  }
0x9c: {  	s7 =	simm.s32 $0x0;
	s20 =	sshll.u32 s5, $0x1;
	s5 =	sadd.s32 s21, s3  }
0x9d: {  	[timem:s7], [sflag:s22] =	dma.local [hbm:s5], s20  }
0x9e: {  	_ =	swait.ge [sflag:s22], s20  }
0x9f: {  	s4 =	ssub.s32 $0x0, s20;
	[sflag:s22] =	ssyncset.done $0x0  }
0xa0: {  	[sflag:s22] =	ssyncadd.s32 s4;
	_ =	sdelay $0x1  }
0xa1: {  	s23 =	simm.s32 $0x1B8B  }
0xa2: {  	_ =	swait.ge [sflag:s23], $0x1  }
0xa3: {  	[sflag:s23] =	ssyncset.done $0x0  }
0xa4: {  	s25 =	simm.s32 $0x1B8E;
	s24 =	sld [smem:$0x3FFE];
	[sflag:s23] =	ssyncadd.s32 $0xFFFFFFFF  }
0xa5: {  	s26 =	simm.s32 $execute0_lowered;
	[smem:$0x3FD2] =	sst s25  }
0xa6: {  	s5 =	sshll.u32 s26, $0x1;
	_ =	strace $0x80000046;
	[dreg:$0x1] =	wrdreg $0xFFFFFFFF  }
0xa7: {  	s28 =	simm.s32 $_size_execute0_lowered;
	s3 =	sadd.s32 s3, s5;
	[dreg:$0x0] =	wrdreg $0x0  }
0xa8: {  	s5 =	sshll.u32 s28, $0x1;
	[dreg:$0x2] =	wrdreg s3  }
0xa9: {  	[dreg:$0x3] =	wrdreg s5  }
0xaa: {  	[dreg:$0x4] =	wrdreg $0xC0  }
0xab: {  	_ =	task [dreg:s7], $0x5FFFF  }
0xac: {  	[dreg:$0x1] =	wrdreg $0xFFFFFFFF  }
0xad: {  	[dreg:$0x0] =	wrdreg $0x60  }
0xae: {  	[dreg:$0x2] =	wrdreg s24  }
0xaf: {  	[dreg:$0x3] =	wrdreg s2  }
0xb0: {  	[dreg:$0x4] =	wrdreg $0x9  }
0xb1: {  	_ =	task.clear_ibuf [dreg:s7], $0x5FFFF;
	_ =	strace $0x90000046  }
0xb2: {  	s29 =	simm.s32 $0x9;
	_ =	strace $0x80000048  }
0xb3: {  	_ =	swait.ge [sflag:s29], $0x1  }
0xb4: {  	[sflag:s29] =	ssyncadd.s32 $0xFFFFFFFF  }
0xb5: {  	_ =	strace $0x90000048  }
0xb6: {  	_ =	sfence  }
0xb7: {  	s30 =	sld [smem:$0x0];
	_ =	sdelay $0x2  }
0xb8: {  	s31 =	sshll.u32 s1, $0xD;
	s1 =	sshrl.u32 s1, $0x2  }
0xb9: {  	s3 =	sand.u32 $0x4000, s31;
	s1 =	sadd.s32 s1, s30  }
0xba: {  	s0 =	sor.u32 s3, s0;
	s1 =	sshll.u32 s1, $0x11  }
0xbb: {  	s0 =	sor.u32 s1, s0  }
0xbc: {  	s0 =	sadd.s32 $0x8F2B, s0  }
0xbd: {  	[sflag:s0] =	ssyncadd.remote.s32 $0x1  }
0xbe: {  	_ =	sfence.sel $0xFFFF  }
0xbf: {  	[dreg:$0x0] =	wrdreg $0xFFFFFFFF;
	(pc) =	sbr.abs _section_cstart, $3  }
0xc0: {  	[dreg:$0x1] =	wrdreg $0xFFFFFFFF  }
0xc1: {  	_ =	task.clear_ibuf [dreg:s7], $0x2FFFF;
	_ =	strace $0x9FFFFFFF  }
0xc2: {  	(tm) =	ssettm $0x7FFFFFFF  }
0xc3: {  	_ =	shalt  }
tec
execute0_lowered:
.L_overlay_start_1:
0x0: {  	(tag) =	ssettag $0x1  }
0x1: {  	s0 =	srdreg.scid;
	s2 =	stileid.u32  }
0x2: {  	s1 =	rddreg [dreg:$0x0];
	s15 =	simm.s32 $0x1;
	s17 =	simm.s32 $0x2  }
0x3: {  	s20 =	simm.s32 $0x3;
	s21 =	simm.s32 $0x7;
	s23 =	simm.s32 $0x4  }
0x4: {  	s24 =	simm.s32 $0x8;
	s0 =	sand.u32 $0x1, s0;
	s3 =	sshll.u32 s2, $0x1  }
0x5: {  	s2 =	rddreg [dreg:$0x1];
	s5 =	sor.u32 s0, s3;
	s0 =	ssub.s32 $0x2, s0  }
0x6: {  	s3 =	simm.s32 $0x0;
	s4 =	smul.u32 $0xC80, s5;
	s30 =	sshrl.u32 s0, $0x1  }
.Ltmp0:
0x7: {  	[smem:$0x7FF] =	sst s3;
	s0 =	ssub.s32 s0, s30;
	(pc) =	sbr.rel .LBB2_1-.Ltmp0, $4  }
0x8: {  	s6 =	sadd.s32 s4, s1;
	s4 =	sadd.s32 $0xF43400, s1;
	s1 =	sadd.s32 $0x1A000, s1  }
0x9: {  	_ =	strace $0x80000047;
	s0 =	smax.u32 s0, $0x1;
	[dreg:$0x3] =	wrdreg s1  }
0xa: {  	s28 =	simm.s32 $0x80;
	s31 =	sadd.s32 $0x1000, s6;
	[dreg:$0x5] =	wrdreg s0  }
0xb: {  	s7 =	smul.u32 $0x6400, s5;
	s1 =	simm.s32 $0x0;
	[dreg:$0x4] =	wrdreg s31  }
.LBB2_24:
0xc: {  	s0 =	simm.s32 $0x5  }
0xd: {  	_ =	swait.ge [sflag:s0], $0x1000  }
0xe: {  	[sflag:s0] =	ssyncset.done $0x0  }
0xf: {  	s30 =	simm.s32 $0x6;
	[sflag:s0] =	ssyncadd.s32 $0xFFFFF000  }
0x10: {  	_ =	swait.ge [sflag:s30], $0x1000  }
0x11: {  	[sflag:s30] =	ssyncset.done $0x0  }
0x12: {  	[sflag:s30] =	ssyncadd.s32 $0xFFFFF000  }
0x13: {  	_ =	swait.ge [sflag:s21], $0x1000  }
0x14: {  	[sflag:s21] =	ssyncset.done $0x0  }
0x15: {  	[sflag:s21] =	ssyncadd.s32 $0xFFFFF000  }
0x16: {  	_ =	swait.ge [sflag:s24], $0x1000  }
0x17: {  	s1 =	rddreg [dreg:$0x6]  }
0x18: {  	s31 =	rddreg [dreg:$0x5];
	s1 =	sadd.s32 $0x1, s1  }
0x19: {  	p0 =	sne.s32 s1, s31  }
.Ltmp1:
0x1a: {  	_ = 	snop;
	(pc) =	sbr.rel @!p0 .LBB2_25-.Ltmp1, $3  }
0x1b: {  	_ =	sdelay $0x1  }
0x1c: {  	[sflag:s24] =	ssyncset.done $0x0  }
0x1d: {  	[sflag:s24] =	ssyncadd.s32 $0xFFFFF000  }
.LBB2_1:
0x1e: {  	[dreg:$0x6] =	wrdreg s1  }
0x1f: {  	s0 =	rddreg [dreg:$0x4];
	s18 =	simm.s32 $0x9  }
0x20: {  	[tilespmem:s3], [sflag:$0x9] =	stream.linear.gather [hbm4b:s0+s3], $0x6400, $0x38;
	[tilespmem:$0x10D00] =	vst v63  }
0x21: {  	_ =	swait.ge [sflag:s18], $0x6400  }
0x22: {  	[sflag:s18] =	ssyncset.done $0x0  }
0x23: {  	s5 =	simm.s32 $0x6400;
	s19 =	rddreg [dreg:$0x3];
	[sflag:s18] =	ssyncadd.s32 $0xFFFF9C00  }
0x24: {  	[tilespmem:s5], [sflag:$0x9] =	stream.linear.gather [hbm4b:s19+s3], $0x2900, $0x38;
	[tilespmem:$0x10D00] =	vst v63  }
0x25: {  	_ =	swait.ge [sflag:s18], $0x2900  }
0x26: {  	s22 =	simm.s32 $0x8D00;
	s25 =	simm.s32 $0x9D00;
	[sflag:s18] =	ssyncset.done $0x0  }
0x27: {  	s30 =	simm.s32 $0x100;
	s26 =	simm.s32 $0xAD00;
	[sflag:s18] =	ssyncadd.s32 $0xFFFFD700  }
0x28: {  	[tilespmem:s22], [sflag:$0x1] =	stream.indirect.gather [hbm4b:s4+s28], $0x20, s3, s28, $0xb8;
	[tilespmem:$0x10D00] =	vst v63  }
0x29: {  	s31 =	simm.s32 $0x180;
	s29 =	simm.s32 $0xBD00;
	s1 =	simm.s32 $0x6470  }
0x2a: {  	[tilespmem:s25], [sflag:$0x2] =	stream.indirect.gather [hbm4b:s4+s28], $0x20, s28, s28, $0xb8;
	[tilespmem:$0x10D00] =	vst v63  }
0x2b: {  	s10 =	simm.s32 $0x8470;
	s6 =	simm.s32 $0x80;
	s8 =	simm.s32 $0x0  }
0x2c: {  	[tilespmem:s26], [sflag:$0x3] =	stream.indirect.gather [hbm4b:s4+s28], $0x20, s30, s28, $0xb8;
	[tilespmem:$0x10D00] =	vst v63  }
0x2d: {  	s0 =	simm.s32 $0x7470;
	s5 =	simm.s32 $0x9470;
	s26 =	simm.s32 $0x0  }
0x2e: {  	[tilespmem:s29], [sflag:$0x4] =	stream.indirect.gather [hbm4b:s4+s28], $0x20, s31, s28, $0xb8;
	[tilespmem:$0x10D00] =	vst v63  }
.LBB2_2:
0x2f: {  	s9 =	smulhi.u32 $0x51EB851F, s8;
	_ =	swait.ge [sflag:s15], $0x1000  }
0x30: {  	p0 =	seq.s32 s26, $0x0;
	[sflag:s15] =	ssyncset.done $0x0  }
0x31: {  	s11 =	simm.s32 @!p0 $0x5;
	s9 =	sshrl.u32 s9, $0x6;
	[sflag:s15] =	ssyncadd.s32 $0xFFFFF000  }
0x32: {  	s9 =	smul.u32 $0xFFFF9C00, s9;
	_ =	swait.ge @!p0 [sflag:s11], $0x1000  }
0x33: {  	[sflag:s11] =	ssyncset.done @!p0 $0x0  }
0x34: {  	s14 =	simm.s32 $0x8D40;
	s9 =	sshra.s32 s9, $0x2;
	[sflag:s11] =	ssyncadd.s32 @!p0 $0xFFFFF000  }
0x35: {  	s16 =	sadd.s32 s9, s1;
	v0 =	vld [tilespmem:s14+$0xFFFFFFC0]  }
0x36: {  	v1 =	vld [tilespmem:s16+$0xFFFFFF90];
	_ =	sdelay $0x4  }
0x37: {  	v0 =	vadd.f32 v1, v0  }
0x38: {  	s19 =	simm.s32 $0xCD40  }
0x39: {  	[tilespmem:s19+$0xFFFFFFC0] =	vst v0  }
0x3a: {  	v0 =	vld [tilespmem:s16+$0xFFFFFFA0]  }
0x3b: {  	v1 =	vld [tilespmem:s14+$0xFFFFFFD0];
	_ =	sdelay $0x4  }
0x3c: {  	v0 =	vadd.f32 v0, v1;
	_ =	sdelay $0x1  }
0x3d: {  	[tilespmem:s19+$0xFFFFFFD0] =	vst v0  }
0x3e: {  	v0 =	vld [tilespmem:s14+$0xFFFFFFE0]  }
0x3f: {  	v1 =	vld [tilespmem:s16+$0xFFFFFFB0];
	_ =	sdelay $0x4  }
0x40: {  	v0 =	vadd.f32 v1, v0;
	_ =	sdelay $0x1  }
0x41: {  	[tilespmem:s19+$0xFFFFFFE0] =	vst v0  }
0x42: {  	v0 =	vld [tilespmem:s14+$0xFFFFFFF0]  }
0x43: {  	v1 =	vld [tilespmem:s16+$0xFFFFFFC0];
	_ =	sdelay $0x4  }
0x44: {  	v0 =	vadd.f32 v1, v0;
	_ =	sdelay $0x1  }
0x45: {  	[tilespmem:s19+$0xFFFFFFF0] =	vst v0  }
0x46: {  	v0 =	vld [tilespmem:s14+$0x0]  }
0x47: {  	v1 =	vld [tilespmem:s16+$0xFFFFFFD0];
	_ =	sdelay $0x4  }
0x48: {  	v0 =	vadd.f32 v1, v0;
	_ =	sdelay $0x1  }
0x49: {  	[tilespmem:s19+$0x0] =	vst v0  }
0x4a: {  	v0 =	vld [tilespmem:s14+$0x10]  }
0x4b: {  	v1 =	vld [tilespmem:s16+$0xFFFFFFE0];
	_ =	sdelay $0x4  }
0x4c: {  	v0 =	vadd.f32 v1, v0;
	_ =	sdelay $0x1  }
0x4d: {  	[tilespmem:s19+$0x10] =	vst v0  }
0x4e: {  	v0 =	vld [tilespmem:s14+$0x20]  }
0x4f: {  	s12 =	smulhi.u32 $0x51EB851F, s6;
	v1 =	vld [tilespmem:s16+$0xFFFFFFF0]  }
0x50: {  	s22 =	smulhi.u32 $0x51EB851F, s30  }
0x51: {  	s18 =	smulhi.u32 $0x51EB851F, s31;
	s12 =	sshrl.u32 s12, $0x6  }
0x52: {  	s13 =	smul.u32 $0xFFFF9C00, s12;
	s11 =	sshrl.u32 s22, $0x6  }
0x53: {  	s9 =	sshrl.u32 s18, $0x6;
	s11 =	smul.u32 $0xFFFF9C00, s11  }
0x54: {  	s25 =	sshra.s32 s13, $0x2;
	s22 =	simm.s32 $0xCD40;
	s9 =	smul.u32 $0xFFFF9C00, s9;
	v0 =	vadd.f32 v1, v0  }
0x55: {  	s13 =	sadd.s32 s25, s0;
	s25 =	simm.s32 $0x0;
	s11 =	sshra.s32 s11, $0x2  }
0x56: {  	s18 =	sadd.s32 $0x80, s16;
	s9 =	sshra.s32 s9, $0x2;
	s12 =	sadd.s32 s11, s10;
	[tilespmem:s19+$0x20] =	vst v0  }
0x57: {  	s11 =	sshll.u32 s26, $0x9;
	s29 =	sadd.s32 s9, s5;
	s9 =	sshll.u32 s26, $0xB;
	v0 =	vld [tilespmem:s14+$0x30]  }
.LBB2_3:
0x58: {  	s25 =	sadd.s32 $0x4, s25;
	v1 =	vld [tilespmem:s16+$0x0];
	s14 =	sadd.s32 $0x80, s14;
	s19 =	sadd.s32 $0x80, s19  }
0x59: {  	s16 =	smov.u32 s18;
	p1 =	slt.u32 s25, $0x7C;
	_ =	sdelay $0x3  }
0x5a: {  	v0 =	vadd.f32 v1, v0;
	_ =	sdelay $0x1  }
0x5b: {  	[tilespmem:s22+$0x30] =	vst v0;
	s22 =	smov.u32 s19  }
0x5c: {  	v0 =	vld [tilespmem:s14+$0xFFFFFFC0]  }
0x5d: {  	v1 =	vld [tilespmem:s18+$0xFFFFFF90];
	_ =	sdelay $0x4  }
0x5e: {  	v0 =	vadd.f32 v1, v0;
	_ =	sdelay $0x1  }
0x5f: {  	[tilespmem:s19+$0xFFFFFFC0] =	vst v0  }
0x60: {  	v0 =	vld [tilespmem:s18+$0xFFFFFFA0]  }
0x61: {  	v1 =	vld [tilespmem:s14+$0xFFFFFFD0];
	_ =	sdelay $0x4  }
0x62: {  	v0 =	vadd.f32 v0, v1;
	_ =	sdelay $0x1  }
0x63: {  	[tilespmem:s19+$0xFFFFFFD0] =	vst v0  }
0x64: {  	v0 =	vld [tilespmem:s14+$0xFFFFFFE0]  }
0x65: {  	v1 =	vld [tilespmem:s18+$0xFFFFFFB0];
	_ =	sdelay $0x4  }
0x66: {  	v0 =	vadd.f32 v1, v0;
	_ =	sdelay $0x1  }
0x67: {  	[tilespmem:s19+$0xFFFFFFE0] =	vst v0  }
0x68: {  	v0 =	vld [tilespmem:s14+$0xFFFFFFF0]  }
0x69: {  	v1 =	vld [tilespmem:s18+$0xFFFFFFC0];
	_ =	sdelay $0x4  }
0x6a: {  	v0 =	vadd.f32 v1, v0;
	_ =	sdelay $0x1  }
0x6b: {  	[tilespmem:s19+$0xFFFFFFF0] =	vst v0  }
0x6c: {  	v0 =	vld [tilespmem:s14+$0x0]  }
0x6d: {  	v1 =	vld [tilespmem:s18+$0xFFFFFFD0];
	_ =	sdelay $0x4  }
0x6e: {  	v0 =	vadd.f32 v1, v0;
	_ =	sdelay $0x1  }
0x6f: {  	[tilespmem:s19+$0x0] =	vst v0  }
0x70: {  	v0 =	vld [tilespmem:s14+$0x10]  }
0x71: {  	v1 =	vld [tilespmem:s18+$0xFFFFFFE0];
	_ =	sdelay $0x4  }
0x72: {  	v0 =	vadd.f32 v1, v0;
	_ =	sdelay $0x1  }
0x73: {  	[tilespmem:s19+$0x10] =	vst v0  }
0x74: {  	v0 =	vld [tilespmem:s14+$0x20]  }
0x75: {  	v1 =	vld [tilespmem:s18+$0xFFFFFFF0];
	_ =	sdelay $0x3  }
.Ltmp2:
0x76: {  	(pc) =	sbr.rel @p1 .LBB2_3-.Ltmp2, $3  }
0x77: {  	v0 =	vadd.f32 v1, v0;
	_ =	sdelay $0x1  }
0x78: {  	[tilespmem:s19+$0x20] =	vst v0  }
0x79: {  	s18 =	sadd.s32 $0x80, s18;
	v0 =	vld [tilespmem:s14+$0x30]  }
0x7a: {  	v1 =	vld [tilespmem:s16+$0x0];
	_ =	sdelay $0x2  }
0x7b: {  	p1 =	sne.s32 s26, $0x31  }
.Ltmp3:
0x7c: {  	_ = 	snop;
	(pc) =	sbr.rel @p1 .LBB2_6-.Ltmp3, $4  }
0x7d: {  	s14 =	sadd.s32 s7, s11;
	v0 =	vadd.f32 v1, v0  }
0x7e: {  	s14 =	sshll.u32 s14, $0x2  }
0x7f: {  	s25 =	simm.s32 $0xCD00;
	s14 =	sadd.s32 s2, s14;
	[tilespmem:s22+$0x30] =	vst v0  }
0x80: {  	[hbm4b:s14+s3] =	stream.linear.scatter [tilespmem:s25], [sflag:$0x5], $0x1000, $0x38;
	[tilespmem:$0x10D00] =	vst v63  }
.Ltmp4:
0x81: {  	(pc) =	sbr.rel .LBB2_7-.Ltmp4, $4  }
0x82: {  	_ = 	snop  }
0x83: {  	_ =	swait.ge [sflag:s17], $0x1000  }
0x84: {  	[sflag:s17] =	ssyncset.done $0x0  }
0x85: {  	[sflag:s17] =	ssyncadd.s32 $0xFFFFF000  }
.LBB2_6:
0x86: {  	s14 =	sshrl.u32 s9, $0x2  }
.Ltmp5:
0x87: {  	s16 =	simm.s32 $0x8D00;
	s14 =	sadd.s32 $0x200, s14;
	(pc) =	sbr.rel @p0 .LBB2_8-.Ltmp5, $4  }
0x88: {  	[tilespmem:s16], [sflag:$0x1] =	stream.indirect.gather [hbm4b:s4+s28], $0x20, s14, s28, $0xb8;
	[tilespmem:$0x10D00] =	vst v63  }
0x89: {  	_ =	swait.ge [sflag:s17], $0x1000  }
0x8a: {  	[sflag:s17] =	ssyncset.done $0x0  }
0x8b: {  	[sflag:s17] =	ssyncadd.s32 $0xFFFFF000  }
.LBB2_7:
0x8c: {  	s14 =	simm.s32 $0x6  }
0x8d: {  	_ =	swait.ge [sflag:s14], $0x1000  }
0x8e: {  	[sflag:s14] =	ssyncset.done $0x0  }
0x8f: {  	[sflag:s14] =	ssyncadd.s32 $0xFFFFF000  }
.LBB2_8:
0x90: {  	s14 =	simm.s32 $0x9D70;
	v1 =	vld [tilespmem:s13+$0xFFFFFF90]  }
0x91: {  	v0 =	vld [tilespmem:s14+$0xFFFFFF90];
	_ =	sdelay $0x4  }
0x92: {  	v0 =	vadd.f32 v1, v0  }
0x93: {  	s16 =	simm.s32 $0xDD70  }
0x94: {  	[tilespmem:s16+$0xFFFFFF90] =	vst v0  }
0x95: {  	v0 =	vld [tilespmem:s13+$0xFFFFFFA0]  }
0x96: {  	v1 =	vld [tilespmem:s14+$0xFFFFFFA0];
	_ =	sdelay $0x4  }
0x97: {  	v0 =	vadd.f32 v0, v1;
	_ =	sdelay $0x1  }
0x98: {  	[tilespmem:s16+$0xFFFFFFA0] =	vst v0  }
0x99: {  	v0 =	vld [tilespmem:s14+$0xFFFFFFB0]  }
0x9a: {  	v1 =	vld [tilespmem:s13+$0xFFFFFFB0];
	_ =	sdelay $0x4  }
0x9b: {  	v0 =	vadd.f32 v1, v0;
	_ =	sdelay $0x1  }
0x9c: {  	[tilespmem:s16+$0xFFFFFFB0] =	vst v0  }
0x9d: {  	v0 =	vld [tilespmem:s14+$0xFFFFFFC0]  }
0x9e: {  	v1 =	vld [tilespmem:s13+$0xFFFFFFC0];
	_ =	sdelay $0x4  }
0x9f: {  	v0 =	vadd.f32 v1, v0;
	_ =	sdelay $0x1  }
0xa0: {  	[tilespmem:s16+$0xFFFFFFC0] =	vst v0  }
0xa1: {  	v0 =	vld [tilespmem:s14+$0xFFFFFFD0]  }
0xa2: {  	v1 =	vld [tilespmem:s13+$0xFFFFFFD0];
	_ =	sdelay $0x4  }
0xa3: {  	v0 =	vadd.f32 v1, v0;
	_ =	sdelay $0x1  }
0xa4: {  	[tilespmem:s16+$0xFFFFFFD0] =	vst v0  }
0xa5: {  	v0 =	vld [tilespmem:s14+$0xFFFFFFE0]  }
0xa6: {  	v1 =	vld [tilespmem:s13+$0xFFFFFFE0];
	_ =	sdelay $0x4  }
0xa7: {  	v0 =	vadd.f32 v1, v0;
	_ =	sdelay $0x1  }
0xa8: {  	[tilespmem:s16+$0xFFFFFFE0] =	vst v0  }
0xa9: {  	v0 =	vld [tilespmem:s14+$0xFFFFFFF0]  }
0xaa: {  	v1 =	vld [tilespmem:s13+$0xFFFFFFF0];
	_ =	sdelay $0x4  }
0xab: {  	v0 =	vadd.f32 v1, v0;
	_ =	sdelay $0x1  }
0xac: {  	s19 =	sor.u32 $0x80, s11;
	[tilespmem:s16+$0xFFFFFFF0] =	vst v0  }
0xad: {  	s25 =	simm.s32 $0x0;
	s18 =	sadd.s32 $0x80, s13;
	s22 =	simm.s32 $0xDD70;
	v0 =	vld [tilespmem:s14+$0x0]  }
.LBB2_9:
0xae: {  	s25 =	sadd.s32 $0x4, s25;
	v1 =	vld [tilespmem:s13+$0x0];
	s14 =	sadd.s32 $0x80, s14;
	s16 =	sadd.s32 $0x80, s16  }
0xaf: {  	s13 =	smov.u32 s18;
	p2 =	slt.u32 s25, $0x7C;
	_ =	sdelay $0x3  }
0xb0: {  	v0 =	vadd.f32 v1, v0;
	_ =	sdelay $0x1  }
0xb1: {  	[tilespmem:s22+$0x0] =	vst v0;
	s22 =	smov.u32 s16  }
0xb2: {  	v0 =	vld [tilespmem:s14+$0xFFFFFF90]  }
0xb3: {  	v1 =	vld [tilespmem:s18+$0xFFFFFF90];
	_ =	sdelay $0x4  }
0xb4: {  	v0 =	vadd.f32 v1, v0;
	_ =	sdelay $0x1  }
0xb5: {  	[tilespmem:s16+$0xFFFFFF90] =	vst v0  }
0xb6: {  	v0 =	vld [tilespmem:s18+$0xFFFFFFA0]  }
0xb7: {  	v1 =	vld [tilespmem:s14+$0xFFFFFFA0];
	_ =	sdelay $0x4  }
0xb8: {  	v0 =	vadd.f32 v0, v1;
	_ =	sdelay $0x1  }
0xb9: {  	[tilespmem:s16+$0xFFFFFFA0] =	vst v0  }
0xba: {  	v0 =	vld [tilespmem:s14+$0xFFFFFFB0]  }
0xbb: {  	v1 =	vld [tilespmem:s18+$0xFFFFFFB0];
	_ =	sdelay $0x4  }
0xbc: {  	v0 =	vadd.f32 v1, v0;
	_ =	sdelay $0x1  }
0xbd: {  	[tilespmem:s16+$0xFFFFFFB0] =	vst v0  }
0xbe: {  	v0 =	vld [tilespmem:s14+$0xFFFFFFC0]  }
0xbf: {  	v1 =	vld [tilespmem:s18+$0xFFFFFFC0];
	_ =	sdelay $0x4  }
0xc0: {  	v0 =	vadd.f32 v1, v0;
	_ =	sdelay $0x1  }
0xc1: {  	[tilespmem:s16+$0xFFFFFFC0] =	vst v0  }
0xc2: {  	v0 =	vld [tilespmem:s14+$0xFFFFFFD0]  }
0xc3: {  	v1 =	vld [tilespmem:s18+$0xFFFFFFD0];
	_ =	sdelay $0x4  }
0xc4: {  	v0 =	vadd.f32 v1, v0;
	_ =	sdelay $0x1  }
0xc5: {  	[tilespmem:s16+$0xFFFFFFD0] =	vst v0  }
0xc6: {  	v0 =	vld [tilespmem:s14+$0xFFFFFFE0]  }
0xc7: {  	v1 =	vld [tilespmem:s18+$0xFFFFFFE0];
	_ =	sdelay $0x4  }
0xc8: {  	v0 =	vadd.f32 v1, v0;
	_ =	sdelay $0x1  }
0xc9: {  	[tilespmem:s16+$0xFFFFFFE0] =	vst v0  }
0xca: {  	v0 =	vld [tilespmem:s14+$0xFFFFFFF0]  }
0xcb: {  	v1 =	vld [tilespmem:s18+$0xFFFFFFF0];
	_ =	sdelay $0x3  }
.Ltmp6:
0xcc: {  	(pc) =	sbr.rel @p2 .LBB2_9-.Ltmp6, $3  }
0xcd: {  	v0 =	vadd.f32 v1, v0;
	_ =	sdelay $0x1  }
0xce: {  	[tilespmem:s16+$0xFFFFFFF0] =	vst v0  }
0xcf: {  	s18 =	sadd.s32 $0x80, s18;
	v0 =	vld [tilespmem:s14+$0x0]  }
0xd0: {  	v1 =	vld [tilespmem:s13+$0x0];
	_ =	sdelay $0x3  }
.Ltmp7:
0xd1: {  	s25 =	sadd.s32 s7, s19;
	(pc) =	sbr.rel @p1 .LBB2_12-.Ltmp7, $4  }
0xd2: {  	s13 =	sshll.u32 s25, $0x2;
	v0 =	vadd.f32 v1, v0  }
0xd3: {  	s13 =	sand.u32 $0x1FFFFA00, s13  }
0xd4: {  	s14 =	simm.s32 $0xDD00;
	s13 =	sadd.s32 s2, s13;
	[tilespmem:s22+$0x0] =	vst v0  }
0xd5: {  	[hbm4b:s13+s3] =	stream.linear.scatter [tilespmem:s14], [sflag:$0x6], $0x1000, $0x38;
	[tilespmem:$0x10D00] =	vst v63  }
.Ltmp8:
0xd6: {  	(pc) =	sbr.rel .LBB2_13-.Ltmp8, $4  }
0xd7: {  	_ = 	snop  }
0xd8: {  	_ =	swait.ge [sflag:s20], $0x1000  }
0xd9: {  	[sflag:s20] =	ssyncset.done $0x0  }
0xda: {  	[sflag:s20] =	ssyncadd.s32 $0xFFFFF000  }
.LBB2_12:
0xdb: {  	s13 =	sshrl.u32 s9, $0x2  }
.Ltmp9:
0xdc: {  	s14 =	simm.s32 $0x9D00;
	s13 =	sadd.s32 $0x280, s13;
	(pc) =	sbr.rel @p0 .LBB2_14-.Ltmp9, $4  }
0xdd: {  	[tilespmem:s14], [sflag:$0x2] =	stream.indirect.gather [hbm4b:s4+s28], $0x20, s13, s28, $0xb8;
	[tilespmem:$0x10D00] =	vst v63  }
0xde: {  	_ =	swait.ge [sflag:s20], $0x1000  }
0xdf: {  	[sflag:s20] =	ssyncset.done $0x0  }
0xe0: {  	[sflag:s20] =	ssyncadd.s32 $0xFFFFF000  }
.LBB2_13:
0xe1: {  	_ =	swait.ge [sflag:s21], $0x1000  }
0xe2: {  	[sflag:s21] =	ssyncset.done $0x0  }
0xe3: {  	[sflag:s21] =	ssyncadd.s32 $0xFFFFF000  }
.LBB2_14:
0xe4: {  	s13 =	simm.s32 $0xAD70;
	v1 =	vld [tilespmem:s12+$0xFFFFFF90]  }
0xe5: {  	v0 =	vld [tilespmem:s13+$0xFFFFFF90];
	_ =	sdelay $0x4  }
0xe6: {  	v0 =	vadd.f32 v1, v0  }
0xe7: {  	s14 =	simm.s32 $0xED70  }
0xe8: {  	[tilespmem:s14+$0xFFFFFF90] =	vst v0  }
0xe9: {  	v0 =	vld [tilespmem:s12+$0xFFFFFFA0]  }
0xea: {  	v1 =	vld [tilespmem:s13+$0xFFFFFFA0];
	_ =	sdelay $0x4  }
0xeb: {  	v0 =	vadd.f32 v0, v1;
	_ =	sdelay $0x1  }
0xec: {  	[tilespmem:s14+$0xFFFFFFA0] =	vst v0  }
0xed: {  	v0 =	vld [tilespmem:s13+$0xFFFFFFB0]  }
0xee: {  	v1 =	vld [tilespmem:s12+$0xFFFFFFB0];
	_ =	sdelay $0x4  }
0xef: {  	v0 =	vadd.f32 v1, v0;
	_ =	sdelay $0x1  }
0xf0: {  	[tilespmem:s14+$0xFFFFFFB0] =	vst v0  }
0xf1: {  	v0 =	vld [tilespmem:s13+$0xFFFFFFC0]  }
0xf2: {  	v1 =	vld [tilespmem:s12+$0xFFFFFFC0];
	_ =	sdelay $0x4  }
0xf3: {  	v0 =	vadd.f32 v1, v0;
	_ =	sdelay $0x1  }
0xf4: {  	[tilespmem:s14+$0xFFFFFFC0] =	vst v0  }
0xf5: {  	v0 =	vld [tilespmem:s13+$0xFFFFFFD0]  }
0xf6: {  	v1 =	vld [tilespmem:s12+$0xFFFFFFD0];
	_ =	sdelay $0x4  }
0xf7: {  	v0 =	vadd.f32 v1, v0;
	_ =	sdelay $0x1  }
0xf8: {  	[tilespmem:s14+$0xFFFFFFD0] =	vst v0  }
0xf9: {  	v0 =	vld [tilespmem:s13+$0xFFFFFFE0]  }
0xfa: {  	v1 =	vld [tilespmem:s12+$0xFFFFFFE0];
	_ =	sdelay $0x4  }
0xfb: {  	v0 =	vadd.f32 v1, v0;
	_ =	sdelay $0x1  }
0xfc: {  	[tilespmem:s14+$0xFFFFFFE0] =	vst v0  }
0xfd: {  	v0 =	vld [tilespmem:s13+$0xFFFFFFF0]  }
0xfe: {  	v1 =	vld [tilespmem:s12+$0xFFFFFFF0];
	_ =	sdelay $0x4  }
0xff: {  	v0 =	vadd.f32 v1, v0;
	_ =	sdelay $0x1  }
0x100: {  	s16 =	sor.u32 $0x100, s11;
	[tilespmem:s14+$0xFFFFFFF0] =	vst v0  }
0x101: {  	s22 =	simm.s32 $0x0;
	s18 =	sadd.s32 $0x80, s12;
	s19 =	simm.s32 $0xED70;
	v0 =	vld [tilespmem:s13+$0x0]  }
.LBB2_15:
0x102: {  	s22 =	sadd.s32 $0x4, s22;
	v1 =	vld [tilespmem:s12+$0x0];
	s13 =	sadd.s32 $0x80, s13;
	s14 =	sadd.s32 $0x80, s14  }
0x103: {  	s12 =	smov.u32 s18;
	p2 =	slt.u32 s22, $0x7C;
	_ =	sdelay $0x3  }
0x104: {  	v0 =	vadd.f32 v1, v0;
	_ =	sdelay $0x1  }
0x105: {  	[tilespmem:s19+$0x0] =	vst v0;
	s19 =	smov.u32 s14  }
0x106: {  	v0 =	vld [tilespmem:s13+$0xFFFFFF90]  }
0x107: {  	v1 =	vld [tilespmem:s18+$0xFFFFFF90];
	_ =	sdelay $0x4  }
0x108: {  	v0 =	vadd.f32 v1, v0;
	_ =	sdelay $0x1  }
0x109: {  	[tilespmem:s14+$0xFFFFFF90] =	vst v0  }
0x10a: {  	v0 =	vld [tilespmem:s18+$0xFFFFFFA0]  }
0x10b: {  	v1 =	vld [tilespmem:s13+$0xFFFFFFA0];
	_ =	sdelay $0x4  }
0x10c: {  	v0 =	vadd.f32 v0, v1;
	_ =	sdelay $0x1  }
0x10d: {  	[tilespmem:s14+$0xFFFFFFA0] =	vst v0  }
0x10e: {  	v0 =	vld [tilespmem:s13+$0xFFFFFFB0]  }
0x10f: {  	v1 =	vld [tilespmem:s18+$0xFFFFFFB0];
	_ =	sdelay $0x4  }
0x110: {  	v0 =	vadd.f32 v1, v0;
	_ =	sdelay $0x1  }
0x111: {  	[tilespmem:s14+$0xFFFFFFB0] =	vst v0  }
0x112: {  	v0 =	vld [tilespmem:s13+$0xFFFFFFC0]  }
0x113: {  	v1 =	vld [tilespmem:s18+$0xFFFFFFC0];
	_ =	sdelay $0x4  }
0x114: {  	v0 =	vadd.f32 v1, v0;
	_ =	sdelay $0x1  }
0x115: {  	[tilespmem:s14+$0xFFFFFFC0] =	vst v0  }
0x116: {  	v0 =	vld [tilespmem:s13+$0xFFFFFFD0]  }
0x117: {  	v1 =	vld [tilespmem:s18+$0xFFFFFFD0];
	_ =	sdelay $0x4  }
0x118: {  	v0 =	vadd.f32 v1, v0;
	_ =	sdelay $0x1  }
0x119: {  	[tilespmem:s14+$0xFFFFFFD0] =	vst v0  }
0x11a: {  	v0 =	vld [tilespmem:s13+$0xFFFFFFE0]  }
0x11b: {  	v1 =	vld [tilespmem:s18+$0xFFFFFFE0];
	_ =	sdelay $0x4  }
0x11c: {  	v0 =	vadd.f32 v1, v0;
	_ =	sdelay $0x1  }
0x11d: {  	[tilespmem:s14+$0xFFFFFFE0] =	vst v0  }
0x11e: {  	v0 =	vld [tilespmem:s13+$0xFFFFFFF0]  }
0x11f: {  	v1 =	vld [tilespmem:s18+$0xFFFFFFF0];
	_ =	sdelay $0x3  }
.Ltmp10:
0x120: {  	(pc) =	sbr.rel @p2 .LBB2_15-.Ltmp10, $3  }
0x121: {  	v0 =	vadd.f32 v1, v0;
	_ =	sdelay $0x1  }
0x122: {  	[tilespmem:s14+$0xFFFFFFF0] =	vst v0  }
0x123: {  	s18 =	sadd.s32 $0x80, s18;
	v0 =	vld [tilespmem:s13+$0x0]  }
0x124: {  	v1 =	vld [tilespmem:s12+$0x0];
	_ =	sdelay $0x3  }
.Ltmp11:
0x125: {  	s25 =	sadd.s32 s7, s16;
	(pc) =	sbr.rel @p1 .LBB2_18-.Ltmp11, $4  }
0x126: {  	s12 =	sshll.u32 s25, $0x2;
	v0 =	vadd.f32 v1, v0  }
0x127: {  	s12 =	sand.u32 $0x1FFFFC00, s12  }
0x128: {  	s13 =	simm.s32 $0xED00;
	s12 =	sadd.s32 s2, s12;
	[tilespmem:s19+$0x0] =	vst v0  }
0x129: {  	[hbm4b:s12+s3] =	stream.linear.scatter [tilespmem:s13], [sflag:$0x7], $0x1000, $0x38;
	[tilespmem:$0x10D00] =	vst v63  }
.Ltmp12:
0x12a: {  	(pc) =	sbr.rel .LBB2_19-.Ltmp12, $4  }
0x12b: {  	_ = 	snop  }
0x12c: {  	_ =	swait.ge [sflag:s23], $0x1000  }
0x12d: {  	[sflag:s23] =	ssyncset.done $0x0  }
0x12e: {  	[sflag:s23] =	ssyncadd.s32 $0xFFFFF000  }
.LBB2_18:
0x12f: {  	s12 =	sshrl.u32 s9, $0x2  }
.Ltmp13:
0x130: {  	s13 =	simm.s32 $0xAD00;
	s12 =	sadd.s32 $0x300, s12;
	(pc) =	sbr.rel @p0 .LBB2_20-.Ltmp13, $4  }
0x131: {  	[tilespmem:s13], [sflag:$0x3] =	stream.indirect.gather [hbm4b:s4+s28], $0x20, s12, s28, $0xb8;
	[tilespmem:$0x10D00] =	vst v63  }
0x132: {  	_ =	swait.ge [sflag:s23], $0x1000  }
0x133: {  	[sflag:s23] =	ssyncset.done $0x0  }
0x134: {  	[sflag:s23] =	ssyncadd.s32 $0xFFFFF000  }
.LBB2_19:
0x135: {  	_ =	swait.ge [sflag:s24], $0x1000  }
0x136: {  	[sflag:s24] =	ssyncset.done $0x0  }
0x137: {  	[sflag:s24] =	ssyncadd.s32 $0xFFFFF000  }
.LBB2_20:
0x138: {  	s12 =	simm.s32 $0xBD70;
	v1 =	vld [tilespmem:s29+$0xFFFFFF90]  }
0x139: {  	v0 =	vld [tilespmem:s12+$0xFFFFFF90];
	_ =	sdelay $0x4  }
0x13a: {  	v0 =	vadd.f32 v1, v0  }
0x13b: {  	s13 =	simm.s32 $0xFD70  }
0x13c: {  	[tilespmem:s13+$0xFFFFFF90] =	vst v0  }
0x13d: {  	v0 =	vld [tilespmem:s29+$0xFFFFFFA0]  }
0x13e: {  	v1 =	vld [tilespmem:s12+$0xFFFFFFA0];
	_ =	sdelay $0x4  }
0x13f: {  	v0 =	vadd.f32 v0, v1;
	_ =	sdelay $0x1  }
0x140: {  	[tilespmem:s13+$0xFFFFFFA0] =	vst v0  }
0x141: {  	v0 =	vld [tilespmem:s12+$0xFFFFFFB0]  }
0x142: {  	v1 =	vld [tilespmem:s29+$0xFFFFFFB0];
	_ =	sdelay $0x4  }
0x143: {  	v0 =	vadd.f32 v1, v0;
	_ =	sdelay $0x1  }
0x144: {  	[tilespmem:s13+$0xFFFFFFB0] =	vst v0  }
0x145: {  	v0 =	vld [tilespmem:s12+$0xFFFFFFC0]  }
0x146: {  	v1 =	vld [tilespmem:s29+$0xFFFFFFC0];
	_ =	sdelay $0x4  }
0x147: {  	v0 =	vadd.f32 v1, v0;
	_ =	sdelay $0x1  }
0x148: {  	[tilespmem:s13+$0xFFFFFFC0] =	vst v0  }
0x149: {  	v0 =	vld [tilespmem:s12+$0xFFFFFFD0]  }
0x14a: {  	v1 =	vld [tilespmem:s29+$0xFFFFFFD0];
	_ =	sdelay $0x4  }
0x14b: {  	v0 =	vadd.f32 v1, v0;
	_ =	sdelay $0x1  }
0x14c: {  	[tilespmem:s13+$0xFFFFFFD0] =	vst v0  }
0x14d: {  	v0 =	vld [tilespmem:s12+$0xFFFFFFE0]  }
0x14e: {  	v1 =	vld [tilespmem:s29+$0xFFFFFFE0];
	_ =	sdelay $0x4  }
0x14f: {  	v0 =	vadd.f32 v1, v0;
	_ =	sdelay $0x1  }
0x150: {  	[tilespmem:s13+$0xFFFFFFE0] =	vst v0  }
0x151: {  	v0 =	vld [tilespmem:s12+$0xFFFFFFF0]  }
0x152: {  	v1 =	vld [tilespmem:s29+$0xFFFFFFF0];
	_ =	sdelay $0x4  }
0x153: {  	v0 =	vadd.f32 v1, v0;
	_ =	sdelay $0x1  }
0x154: {  	s11 =	sor.u32 $0x180, s11;
	[tilespmem:s13+$0xFFFFFFF0] =	vst v0  }
0x155: {  	s16 =	simm.s32 $0x0;
	s18 =	sadd.s32 $0x80, s29;
	s14 =	simm.s32 $0xFD70;
	v0 =	vld [tilespmem:s12+$0x0]  }
.LBB2_21:
0x156: {  	s16 =	sadd.s32 $0x4, s16;
	v1 =	vld [tilespmem:s29+$0x0];
	s12 =	sadd.s32 $0x80, s12;
	s13 =	sadd.s32 $0x80, s13  }
0x157: {  	s29 =	smov.u32 s18;
	p0 =	slt.u32 s16, $0x7C;
	_ =	sdelay $0x3  }
0x158: {  	v0 =	vadd.f32 v1, v0;
	_ =	sdelay $0x1  }
0x159: {  	[tilespmem:s14+$0x0] =	vst v0;
	s14 =	smov.u32 s13  }
0x15a: {  	v0 =	vld [tilespmem:s12+$0xFFFFFF90]  }
0x15b: {  	v1 =	vld [tilespmem:s18+$0xFFFFFF90];
	_ =	sdelay $0x4  }
0x15c: {  	v0 =	vadd.f32 v1, v0;
	_ =	sdelay $0x1  }
0x15d: {  	[tilespmem:s13+$0xFFFFFF90] =	vst v0  }
0x15e: {  	v0 =	vld [tilespmem:s18+$0xFFFFFFA0]  }
0x15f: {  	v1 =	vld [tilespmem:s12+$0xFFFFFFA0];
	_ =	sdelay $0x4  }
0x160: {  	v0 =	vadd.f32 v0, v1;
	_ =	sdelay $0x1  }
0x161: {  	[tilespmem:s13+$0xFFFFFFA0] =	vst v0  }
0x162: {  	v0 =	vld [tilespmem:s12+$0xFFFFFFB0]  }
0x163: {  	v1 =	vld [tilespmem:s18+$0xFFFFFFB0];
	_ =	sdelay $0x4  }
0x164: {  	v0 =	vadd.f32 v1, v0;
	_ =	sdelay $0x1  }
0x165: {  	[tilespmem:s13+$0xFFFFFFB0] =	vst v0  }
0x166: {  	v0 =	vld [tilespmem:s12+$0xFFFFFFC0]  }
0x167: {  	v1 =	vld [tilespmem:s18+$0xFFFFFFC0];
	_ =	sdelay $0x4  }
0x168: {  	v0 =	vadd.f32 v1, v0;
	_ =	sdelay $0x1  }
0x169: {  	[tilespmem:s13+$0xFFFFFFC0] =	vst v0  }
0x16a: {  	v0 =	vld [tilespmem:s12+$0xFFFFFFD0]  }
0x16b: {  	v1 =	vld [tilespmem:s18+$0xFFFFFFD0];
	_ =	sdelay $0x4  }
0x16c: {  	v0 =	vadd.f32 v1, v0;
	_ =	sdelay $0x1  }
0x16d: {  	[tilespmem:s13+$0xFFFFFFD0] =	vst v0  }
0x16e: {  	v0 =	vld [tilespmem:s12+$0xFFFFFFE0]  }
0x16f: {  	v1 =	vld [tilespmem:s18+$0xFFFFFFE0];
	_ =	sdelay $0x4  }
0x170: {  	v0 =	vadd.f32 v1, v0;
	_ =	sdelay $0x1  }
0x171: {  	[tilespmem:s13+$0xFFFFFFE0] =	vst v0  }
0x172: {  	v0 =	vld [tilespmem:s12+$0xFFFFFFF0]  }
0x173: {  	v1 =	vld [tilespmem:s18+$0xFFFFFFF0];
	_ =	sdelay $0x3  }
.Ltmp14:
0x174: {  	(pc) =	sbr.rel @p0 .LBB2_21-.Ltmp14, $3  }
0x175: {  	v0 =	vadd.f32 v1, v0;
	_ =	sdelay $0x1  }
0x176: {  	[tilespmem:s13+$0xFFFFFFF0] =	vst v0  }
0x177: {  	s18 =	sadd.s32 $0x80, s18;
	v0 =	vld [tilespmem:s12+$0x0]  }
0x178: {  	v1 =	vld [tilespmem:s29+$0x0];
	_ =	sdelay $0x2  }
0x179: {  	p0 =	seq.s32 s26, $0x31  }
.Ltmp15:
0x17a: {  	s11 =	sadd.s32 s7, s11;
	(pc) =	sbr.rel @p0 .LBB2_24-.Ltmp15, $4  }
0x17b: {  	s11 =	sshll.u32 s11, $0x2;
	v0 =	vadd.f32 v1, v0  }
0x17c: {  	s11 =	sand.u32 $0x1FFFFE00, s11  }
0x17d: {  	s12 =	simm.s32 $0xFD00;
	s11 =	sadd.s32 s2, s11;
	[tilespmem:s14+$0x0] =	vst v0  }
0x17e: {  	[hbm4b:s11+s3] =	stream.linear.scatter [tilespmem:s12], [sflag:$0x8], $0x1000, $0x38;
	[tilespmem:$0x10D00] =	vst v63  }
0x17f: {  	s9 =	sshrl.u32 s9, $0x2  }
.Ltmp16:
0x180: {  	s11 =	simm.s32 $0xBD00;
	s26 =	sadd.s32 $0x1, s26;
	(pc) =	sbr.rel .LBB2_2-.Ltmp16, $4  }
0x181: {  	s1 =	sadd.s32 $0x4000, s1;
	s8 =	sadd.s32 $0x200, s8;
	s0 =	sadd.s32 $0x4000, s0  }
0x182: {  	s6 =	sadd.s32 $0x200, s6;
	s10 =	sadd.s32 $0x4000, s10;
	s30 =	sadd.s32 $0x200, s30  }
0x183: {  	s5 =	sadd.s32 $0x4000, s5;
	s31 =	sadd.s32 $0x200, s31;
	s9 =	sadd.s32 $0x380, s9  }
0x184: {  	[tilespmem:s11], [sflag:$0x4] =	stream.indirect.gather [hbm4b:s4+s28], $0x20, s9, s28, $0xb8;
	[tilespmem:$0x10D00] =	vst v63  }
.LBB2_25:
0x185: {  	_ =	sfence.sel $0x180000  }
0x186: {  	[bflag:$0x0] =	sbarrier.arrive $0xFFFF  }
0x187: {  	_ =	strace $0x90000047  }
0x188: {  	s0 =	stileid.u32;
	[bflag:$0x2] =	sbarrier.arrive $0xFFFF  }
0x189: {  	p0 =	sne.s32 s0, $0x0;
	s0 =	rddreg [dreg:$0x2]  }
0x18a: {  	s0 =	sadd.s32 @!p0 $0x100000, s0  }
0x18b: {  	[sflag:s0] =	ssyncadd.tile.s32 @!p0 $0x1;
	_ =	shalt  }
.Lfunc_end2:
_tile_overlayer_lowered:
.L_overlay_start_2:
0x18c: {  	(tag) =	ssettag $0x2  }
0x18d: {  	s0 =	rddreg [dreg:$0x0];
	s2 =	stileid.u32  }
0x18e: {  	s1 =	rddreg [dreg:$0x1];
	p0 =	sne.s32 s2, $0x0  }
0x18f: {  	s3 =	rddreg [dreg:$0x2];
	[bflag:$0x3] =	sbarrier.arrive $0xFFFF;
	s2 =	simm.s32 @!p0 $0x1C09  }
0x190: {  	[timem:s3], [sflag:s2] =	dma.local @!p0 [hbm:s0], s1  }
0x191: {  	s0 =	simm.s32 @!p0 $0x9  }
0x192: {  	_ =	swait.ge @!p0 [sflag:s0], s1  }
0x193: {  	s1 =	ssub.s32 @!p0 $0x0, s1;
	[sflag:s0] =	ssyncset.done @!p0 $0x0  }
0x194: {  	[sflag:s0] =	ssyncadd.s32 @!p0 s1  }
0x195: {  	[bflag:$0x3] =	sbarrier.arrive $0xFFFF  }
0x196: {  	_ =	shalt  }

// kernel: sparse-core-data-format-call.cloned.1.call-start
scs
called_computation_lowered:
.L_overlay_start_0:
0x0: {  	s2 =	sld [smem:$0x3FD9]  }
0x1: {  	s3 =	sld [smem:$0x3FFE];
	_ =	sdelay $0x1  }
0x2: {  	s1 =	srdreg.scid  }
0x3: {  	s0 =	sand.u32 $0x1, s1  }
0x4: {  	s18 =	sshll.u32 s0, $0xA;
	s2 =	sadd.s32 s3, s2  }
0x5: {  	s2 =	sadd.s32 s2, s18  }
0x6: {  	[smem:$0x3FC5] =	sst s2  }
0x7: {  	_ = 	snop  }
0x8: {  	s2 =	sld [smem:$0x3FD0];
	(tm) =	ssettm $0x1  }
0x9: {  	s19 =	sld [smem:$0x3FFB];
	_ =	sdelay $0x3  }
0xa: {  	_ =	strace s19  }
0xb: {  	s3 =	sld [smem:$0x3FFC];
	_ =	sdelay $0x3  }
0xc: {  	_ =	strace s3  }
0xd: {  	s3 =	sld [smem:$0x3FFD];
	_ =	sdelay $0x3  }
0xe: {  	_ =	strace s3  }
0xf: {  	_ =	strace $0x8FFFFFFF  }
0x10: {  	s20 =	sld [smem:$0x3FDB];
	_ =	sdelay $0x1  }
0x11: {  	s4 =	simm.s32 $_scs_section_size  }
0x12: {  	s5 =	simm.s32 $_size__tile_overlayer_lowered;
	s6 =	simm.s32 $_tile_overlayer_lowered  }
0x13: {  	s23 =	simm.s32 $0x1BFF;
	s22 =	sshll.u32 s6, $0x1;
	s3 =	sadd.s32 s4, s20  }
0x14: {  	s7 =	simm.s32 $0x0;
	s21 =	sshll.u32 s5, $0x1;
	s5 =	sadd.s32 s22, s3  }
0x15: {  	[timem:s7], [sflag:s23] =	dma.local [hbm:s5], s21  }
0x16: {  	_ =	swait.ge [sflag:s23], s21  }
0x17: {  	s4 =	ssub.s32 $0x0, s21;
	[sflag:s23] =	ssyncset.done $0x0  }
0x18: {  	[sflag:s23] =	ssyncadd.s32 s4;
	_ =	sdelay $0x1  }
0x19: {  	s24 =	simm.s32 $0x1B8B  }
0x1a: {  	_ =	swait.ge [sflag:s24], $0x1  }
0x1b: {  	[sflag:s24] =	ssyncset.done $0x0  }
0x1c: {  	s26 =	simm.s32 $0x1B8E;
	s25 =	sld [smem:$0x3FFE];
	[sflag:s24] =	ssyncadd.s32 $0xFFFFFFFF  }
0x1d: {  	s27 =	simm.s32 $execute0_lowered;
	[smem:$0x3FD2] =	sst s26  }
0x1e: {  	s5 =	sshll.u32 s27, $0x1;
	_ =	strace $0x80000049;
	[dreg:$0x1] =	wrdreg $0xFFFFFFFF  }
0x1f: {  	s28 =	simm.s32 $_size_execute0_lowered;
	s3 =	sadd.s32 s3, s5;
	[dreg:$0x0] =	wrdreg $0x0  }
0x20: {  	s5 =	sshll.u32 s28, $0x1;
	[dreg:$0x2] =	wrdreg s3  }
0x21: {  	[dreg:$0x3] =	wrdreg s5  }
0x22: {  	[dreg:$0x4] =	wrdreg $0xC0  }
0x23: {  	_ =	task [dreg:s7], $0x5FFFF  }
0x24: {  	[dreg:$0x1] =	wrdreg $0xFFFFFFFF  }
0x25: {  	[dreg:$0x0] =	wrdreg $0x60  }
0x26: {  	[dreg:$0x2] =	wrdreg s25  }
0x27: {  	[dreg:$0x3] =	wrdreg s2  }
0x28: {  	[dreg:$0x4] =	wrdreg $0x9  }
0x29: {  	_ =	task.clear_ibuf [dreg:s7], $0x5FFFF;
	_ =	strace $0x90000049  }
0x2a: {  	s29 =	simm.s32 $0x9;
	_ =	strace $0x8000004B  }
0x2b: {  	_ =	swait.ge [sflag:s29], $0x1  }
0x2c: {  	[sflag:s29] =	ssyncadd.s32 $0xFFFFFFFF  }
0x2d: {  	_ =	strace $0x9000004B  }
0x2e: {  	_ =	sfence  }
0x2f: {  	s30 =	sld [smem:$0x0];
	_ =	sdelay $0x2  }
0x30: {  	s31 =	sshll.u32 s1, $0xD;
	s1 =	sshrl.u32 s1, $0x2  }
0x31: {  	s3 =	sand.u32 $0x4000, s31;
	s1 =	sadd.s32 s1, s30  }
0x32: {  	s0 =	sor.u32 s3, s0;
	s1 =	sshll.u32 s1, $0x11  }
0x33: {  	s0 =	sor.u32 s1, s0  }
0x34: {  	s0 =	sadd.s32 $0x8F2B, s0  }
0x35: {  	[sflag:s0] =	ssyncadd.remote.s32 $0x1  }
0x36: {  	_ =	sfence.sel $0xFFFF  }
0x37: {  	[dreg:$0x0] =	wrdreg $0xFFFFFFFF;
	(pc) =	sbr.abs _section_cstart, $3  }
0x38: {  	[dreg:$0x1] =	wrdreg $0xFFFFFFFF  }
0x39: {  	_ =	task.clear_ibuf [dreg:s7], $0x2FFFF;
	_ =	strace $0x9FFFFFFF  }
0x3a: {  	(tm) =	ssettm $0x7FFFFFFF  }
0x3b: {  	_ =	shalt  }
tec
execute0_lowered:
.L_overlay_start_1:
0x0: {  	(tag) =	ssettag $0x1  }
0x1: {  	s0 =	srdreg.scid  }
0x2: {  	s1 =	sshll.u32 s0, $0x4  }
0x3: {  	s0 =	stileid.u32;
	s1 =	sand.u32 $0x10, s1  }
0x4: {  	s1 =	sor.u32 s0, s1  }
0x5: {  	s6 =	rddreg [dreg:$0x0];
	s4 =	simm.s32 $0x1;
	s2 =	sshll.u32 s1, $0x7  }
0x6: {  	s7 =	simm.s32 $0x2;
	s12 =	simm.s32 $0x0;
	s1 =	ssub.s32 $0x1000, s2  }
0x7: {  	s8 =	simm.s32 $0x8000;
	s13 =	simm.s32 $0x0;
	s3 =	sand.u32 $0xF80, s1  }
0x8: {  	s9 =	simm.s32 $0x0;
	s5 =	sshrl.u32 s1, $0xC;
	p0 =	sne.s32 s3, $0x0  }
.Ltmp0:
0x9: {  	s1 =	rddreg [dreg:$0x2];
	s4 =	simm.s32 @!p0 $0x0;
	(pc) =	sbr.rel .LBB1_1-.Ltmp0, $4  }
0xa: {  	s11 =	simm.s32 $0x0;
	s3 =	rddreg [dreg:$0x1];
	s5 =	sadd.s32 s4, s5  }
0xb: {  	_ =	strace $0x8000004A;
	s4 =	simm.s32 $0x1;
	s5 =	smul.u32 $0xC8, s5  }
0xc: {  	s6 =	sadd.s32 $0x1000, s6;
	s10 =	smov.u32 s2;
	[sflag:s4] =	ssyncpa.u1 $0x0  }
0xd: {  	p0 =	por $0x0, $0x0;
	[sflag:s7] =	ssyncpa.u1 $0x0;
	s7 =	sor.u32 $0x1, s5  }
.LBB1_4:
0xe: {  	s16 =	sshll.u32 s13, $0x3;
	s17 =	sand.u32 $0x78, s13  }
0xf: {  	s30 =	sand.u32 $0x3E00, s13;
	s12 =	sshll.u32 s12, $0xE;
	s16 =	sand.u32 $0xC00, s16  }
0x10: {  	s31 =	sand.u32 $0x7, s13;
	s16 =	sor.u32 s17, s16;
	s17 =	sadd.s32 s3, s30  }
0x11: {  	s13 =	sshll.u32 s31, $0x12;
	s16 =	sshrl.u32 s16, $0x3;
	s12 =	sadd.s32 s12, s17  }
0x12: {  	[tilespmem:s15+$0x0 ss:$0x81] =	vst.msk $0xffff, v0;
	s13 =	sor.u32 $0x400, s13;
	s12 =	sadd.s32 s16, s12  }
0x13: {  	[hbm4b:s12+s13] =	stream.strided.scatter [tilespmem:s14], [sflag:$0x2], $0x1000, s8, s13, $0x20;
	[tilespmem:$0x4040] =	vst v63  }
.LBB1_5:
0x14: {  	s14 =	sadd.s32 $0x1, s9  }
0x15: {  	s12 =	sadd.s32 $0x1000, s10;
	s16 =	smov.u32 s10;
	p2 =	sgt.s32 s14, $0xC7  }
0x16: {  	s16 =	smov.u32 @p2 s12  }
0x17: {  	s14 =	simm.s32 @p2 $0x0;
	p2 =	sgt.s32 s16, $0xFFF  }
0x18: {  	s16 =	smov.u32 @p2 s2;
	p2 =	sne.s32 s11, s7  }
.Ltmp1:
0x19: {  	p1 =	slt.u32 s11, $0x2;
	(pc) =	sbr.rel @!p2 .LBB1_6-.Ltmp1, $4  }
0x1a: {  	s15 =	simm.s32 @!p1 $0x2  }
0x1b: {  	s13 =	smov.u32 s10;
	p0 =	por !p0, !p0;
	_ =	swait.ge @!p1 [sflag:s15], $0x1000  }
0x1c: {  	s12 =	smov.u32 s9;
	[sflag:s15] =	ssyncset.done @!p1 $0x0;
	s9 =	smov.u32 s14  }
0x1d: {  	s11 =	sadd.s32 $0x1, s11;
	[sflag:s15] =	ssyncadd.s32 @!p1 $0xFFFFF000;
	s10 =	smov.u32 s16  }
.LBB1_1:
0x1e: {  	p1 =	sge.u32 s11, s5  }
0x1f: {  	s14 =	sand.u32 @!p1 $0x1FFFFFF, s9  }
0x20: {  	s15 =	smulhi.u32 @!p1 $0x147AE15, s14;
	_ =	sdelay $0x1  }
0x21: {  	s15 =	smul.u32 @!p1 $0xC8, s15  }
0x22: {  	s16 =	sxor.u32 @!p1 $0xFFFFFFFF, s11;
	s17 =	smul.u32 @!p1 $0xC80, s10  }
0x23: {  	s31 =	sadd.s32 $0xFFFFFFFF, s11;
	s16 =	sshll.u32 @!p1 s16, $0xC;
	s14 =	ssub.s32 @!p1 s14, s15  }
0x24: {  	s15 =	sand.u32 @!p1 $0x1000, s16;
	s16 =	sadd.s32 @!p1 s6, s17;
	s14 =	sshll.u32 @!p1 s14, $0x4  }
0x25: {  	s17 =	simm.s32 @!p1 $0x6400;
	s14 =	sadd.s32 @!p1 s14, s16;
	s16 =	simm.s32 @!p1 $0x20  }
0x26: {  	[tilespmem:s15], [sflag:$0x1] =	stream.strided.gather @!p1 [hbm4b:s14+s16], $0x1000, s17, s16, $0x38;
	[tilespmem:$0x4040] =	vst v63  }
0x27: {  	p1 =	sge.u32 s31, s5  }
.Ltmp2:
0x28: {  	_ = 	snop;
	(pc) =	sbr.rel @p1 .LBB1_5-.Ltmp2, $1  }
0x29: {  	_ =	sdelay $0x3  }
0x2a: {  	s14 =	simm.s32 $0x1  }
0x2b: {  	_ =	swait.ge [sflag:s4], $0x1000;
	s14 =	simm.s32 @!p0 $0x0  }
0x2c: {  	[sflag:s4] =	ssyncset.done $0x0;
	s15 =	sshll.u32 s14, $0xC  }
0x2d: {  	[sflag:s4] =	ssyncadd.s32 $0xFFFFF000;
	s18 =	sor.u32 $0x10, s15  }
0x2e: {  	s14 =	smul.u32 $0x4080, s14;
	v1 =	vld [tilespmem:s18+$0x0]  }
0x2f: {  	s30 =	sand.u32 $0x1, s11;
	v0 =	vld [tilespmem:s18+$0xFFFFFFF0]  }
0x30: {  	s15 =	smul.u32 $0x4080, s30;
	s14 =	sshrl.u32 s14, $0x2  }
0x31: {  	s16 =	sor.u32 $0x2000, s14  }
0x32: {  	s31 =	sshrl.u32 s15, $0x2;
	s15 =	sadd.s32 $0x0, s16  }
0x33: {  	s17 =	simm.s32 $0x4;
	s18 =	sadd.s32 $0x20, s18;
	s14 =	sor.u32 $0x2000, s31;
	[tilespmem:s15+$0x810 ss:$0x81] =	vst.msk $0xffff, v1  }
.LBB1_3:
0x34: {  	v1 =	vld [tilespmem:s18+$0x0];
	p1 =	sne.s32 s17, $0x1FC;
	[tilespmem:s15+$0x0 ss:$0x81] =	vst.msk $0xffff, v0;
	s15 =	smov.u32 s17;
	s17 =	sadd.s32 $0x4, s17  }
.Ltmp3:
0x35: {  	v0 =	vld [tilespmem:s18+$0xFFFFFFF0];
	(pc) =	sbr.rel @p1 .LBB1_3-.Ltmp3, $4  }
0x36: {  	_ = 	snop  }
0x37: {  	s15 =	sshra.s32 s15, $0x2  }
0x38: {  	s15 =	sadd.s32 s15, s16  }
0x39: {  	s18 =	sadd.s32 $0x20, s18;
	[tilespmem:s15+$0x810 ss:$0x81] =	vst.msk $0xffff, v1  }
.Ltmp4:
0x3a: {  	_ = 	snop;
	(pc) =	sbr.rel .LBB1_4-.Ltmp4, $1  }
0x3b: {  	_ =	sdelay $0x3  }
.LBB1_6:
0x3c: {  	_ =	sfence.sel $0x180000  }
0x3d: {  	s2 =	simm.s32 $0x1;
	[bflag:$0x0] =	sbarrier.arrive $0xFFFF  }
0x3e: {  	s31 =	simm.s32 $0x2;
	[sflag:s2] =	ssyncpa.u1 $0x1  }
0x3f: {  	[sflag:s31] =	ssyncpa.u1 $0x1  }
0x40: {  	p0 =	sne.s32 s0, $0x0;
	_ =	strace $0x9000004A  }
0x41: {  	s0 =	sadd.s32 @!p0 $0x100000, s1;
	[bflag:$0x2] =	sbarrier.arrive $0xFFFF  }
0x42: {  	[sflag:s0] =	ssyncadd.tile.s32 @!p0 $0x1;
	_ =	shalt  }
.Lfunc_end1:
_tile_overlayer_lowered:
.L_overlay_start_2:
0x43: {  	(tag) =	ssettag $0x2  }
0x44: {  	s0 =	rddreg [dreg:$0x0];
	s2 =	stileid.u32  }
0x45: {  	s1 =	rddreg [dreg:$0x1];
	p0 =	sne.s32 s2, $0x0  }
0x46: {  	s3 =	rddreg [dreg:$0x2];
	[bflag:$0x3] =	sbarrier.arrive $0xFFFF;
	s2 =	simm.s32 @!p0 $0x1C01  }
0x47: {  	[timem:s3], [sflag:s2] =	dma.local @!p0 [hbm:s0], s1  }
0x48: {  	s0 =	simm.s32 @!p0 $0x1  }
0x49: {  	_ =	swait.ge @!p0 [sflag:s0], s1  }
0x4a: {  	s1 =	ssub.s32 @!p0 $0x0, s1;
	[sflag:s0] =	ssyncset.done @!p0 $0x0  }
0x4b: {  	[sflag:s0] =	ssyncadd.s32 @!p0 s1  }
0x4c: {  	[bflag:$0x3] =	sbarrier.arrive $0xFFFF  }
0x4d: {  	_ =	shalt  }

</sc_bundles>
